<compile_context>
chip_gen: v7x
topology: tpu7x:2x2x1
jax: 0.10.2.dev20260603
libtpu: 0.0.44.dev20260713+nightly
codegen_flags: <defaults>
</compile_context>

<pallas_src>
import functools

import jax
import jax.numpy as jnp
from jax import lax
from jax.experimental import pallas as pl
from jax.experimental.pallas import tpu as pltpu
from jax.experimental.pallas import tpu_sc as plsc

_NW = 32
_L = 16


def _emb_lookup(wp, x, b, s, d):
    w = s
    steps = b // _NW
    mesh = plsc.VectorSubcoreMesh(
        core_axis_name="core", subcore_axis_name="subcore"
    )

    @functools.partial(
        pl.kernel,
        out_type=jax.ShapeDtypeStruct((b * s, d), jnp.float32),
        mesh=mesh,
        scratch_types=[
            pltpu.VMEM((2, w), jnp.int32),
            pltpu.VMEM((2, w, 2 * d), jnp.float32),
            pltpu.VMEM((2, w, d), jnp.float32),
            pltpu.SemaphoreType.DMA((2,)),
            pltpu.SemaphoreType.DMA((2,)),
            pltpu.SemaphoreType.DMA((2,)),
        ],
    )
    def emb_kernel(t_hbm, x_hbm, out_hbm, rv, g, o, isem, gsem, ssem):
        cid = lax.axis_index("core")
        sid = lax.axis_index("subcore")
        wid = sid * 2 + cid

        def idx_start(p, j):
            pltpu.make_async_copy(
                x_hbm.at[wid * steps + j], rv.at[p], isem.at[p]).start()

        def idx_wait(p, j):
            pltpu.make_async_copy(
                x_hbm.at[wid * steps + j], rv.at[p], isem.at[p]).wait()

        def gather_start(p):
            pltpu.make_async_copy(
                t_hbm.at[rv.at[p].at[pl.ds(0, 128)]],
                g.at[p].at[pl.ds(0, 128)], gsem.at[p]).start()
            pltpu.make_async_copy(
                t_hbm.at[rv.at[p].at[pl.ds(128, w - 128)]],
                g.at[p].at[pl.ds(128, w - 128)], gsem.at[p]).start()

        def gather_wait(p):
            pltpu.make_async_copy(
                t_hbm.at[rv.at[p].at[pl.ds(0, 128)]],
                g.at[p].at[pl.ds(0, 128)], gsem.at[p]).wait()
            pltpu.make_async_copy(
                t_hbm.at[rv.at[p].at[pl.ds(128, w - 128)]],
                g.at[p].at[pl.ds(128, w - 128)], gsem.at[p]).wait()

        def store_start(p, j):
            pltpu.make_async_copy(
                o.at[p], out_hbm.at[pl.ds((wid * steps + j) * w, w)],
                ssem.at[p]).start()

        def store_wait(p, j):
            pltpu.make_async_copy(
                o.at[p], out_hbm.at[pl.ds((wid * steps + j) * w, w)],
                ssem.at[p]).wait()

        def compact(p):
            @pl.loop(0, w)
            def _(r):
                for k in range(d // _L):
                    o[p, r, pl.ds(k * _L, _L)] = g[p, r, pl.ds(k * _L, _L)]

        idx_start(0, 0)
        idx_start(1, 1)
        idx_wait(0, 0)
        gather_start(0)

        @pl.loop(0, steps // 2)
        def _(i):
            for p in range(2):
                j = 2 * i + p
                jn = jnp.minimum(j + 1, steps - 1)
                jf = jnp.minimum(j + 2, steps - 1)
                pn = 1 - p
                gather_wait(p)
                idx_wait(pn, jn)
                gather_start(pn)
                @pl.when(j >= 2)
                def _():
                    store_wait(p, j - 2)
                compact(p)
                store_start(p, j)
                idx_start(p, jf)

        store_wait(0, steps - 2)
        store_wait(1, steps - 1)
        gather_wait(0)
        idx_wait(1, steps - 1)

    return emb_kernel(wp, x)


def kernel(x, weight):
    b, s = x.shape
    v, d = weight.shape
    wp = jnp.pad(weight, ((0, 0), (0, d)))
    out = _emb_lookup(wp, x.astype(jnp.int32), b, s, d)
    return out.reshape(b, s, d)

# --- scband reference (transcript-rebuilt; emitter-appended) ---
"""Pipeline reference for scband-token-embedding-21835613733534 (READ-ONLY COPY).

The authoritative reference and input builder live on the scoring server;
editing this copy changes nothing except your own understanding.
"""

import jax, jax.numpy as jnp
import numpy as np

VOCAB = 1000000
D_MODEL = 64
PAD_IDX = 0


def setup_inputs(seed: int = 0) -> dict:
    key = jax.random.key(seed)
    k_idx, k_w = jax.random.split(key)
    x = jax.random.randint(k_idx, (4096, 200), 0, VOCAB, dtype=jnp.int64 if jax.config.jax_enable_x64 else jnp.int32)
    weight = 0.02 * jax.random.normal(k_w, (VOCAB, D_MODEL), dtype=jnp.float32)
    # padding_idx row zeroed, matching torch init
    weight = weight.at[PAD_IDX].set(0.0)
    return {"x": x, "weight": weight}


def reference(x, weight):
    # nn.Embedding lookup: gather rows of the table
    emb = jnp.take(weight, x, axis=0)  # (B, S, D)
    # padding_idx rows are zero; multiply by mask to mirror torch semantics exactly
    mask = (x != PAD_IDX)[..., None].astype(emb.dtype)
    return emb * mask

if __name__ == "__main__":
    import jax
    _d = setup_inputs()
    print(jax.jit(kernel)(*tuple(_d.values())))

</pallas_src>

<mosaic_0001>
#map = affine_map<(d0, d1) -> (0, 0)>
module attributes {stable_mosaic.version = 14 : i64} {
  func.func @emb_kernel(%arg0: i32, %arg1: i32, %arg2: memref<1000000x128xf32, #tpu.memory_space<hbm>>, %arg3: memref<4096x200xi32, #tpu.memory_space<hbm>>, %arg4: memref<819200x64xf32, #tpu.memory_space<hbm>>, %arg5: memref<2x200xi32, #tpu.memory_space<vmem>>, %arg6: memref<2x200x128xf32, #tpu.memory_space<vmem>>, %arg7: memref<2x200x64xf32, #tpu.memory_space<vmem>>, %arg8: memref<2x!tpu.dma_semaphore, #tpu.memory_space<semaphore_mem>>, %arg9: memref<2x!tpu.dma_semaphore, #tpu.memory_space<semaphore_mem>>, %arg10: memref<2x!tpu.dma_semaphore, #tpu.memory_space<semaphore_mem>>) attributes {dimension_semantics = [#tpu.dimension_semantics<core_parallel>, #tpu.dimension_semantics<subcore_parallel>], iteration_bounds = array<i64: 2, 16>, scalar_prefetch = 0 : i64, scratch_operands = 6 : i64, tpu.core_type = #tpu.core_type<sc_vector_subcore>, window_params = [{transform_indices = #map}, {transform_indices = #map}, {transform_indices = #map}]} {
    %mul3A = arith.constant 2 : i32
    %mul3A_0 = arith.muli %arg1, %mul3A : i32
    %add3A = arith.addi %mul3A_0, %arg0 : i32
    %mul3A_1 = arith.constant 128 : i32
    %mul3A_2 = arith.muli %add3A, %mul3A_1 : i32
    %add3A_3 = arith.constant 0 : i32
    %add3A_4 = arith.addi %mul3A_2, %add3A_3 : i32
    %dma_start3A = arith.constant 0 : i32
    %dma_start3A_5 = arith.constant 0 : i32
    %dma_start3A_6 = arith.constant 0 : i32
    %dma_start3A_7 = tpu.memref_slice %arg5[%dma_start3A, %dma_start3A_6] : memref<2x200xi32, #tpu.memory_space<vmem>> -> memref<1x200xi32, #tpu.memory_space<vmem>>
    %dma_start3A_8 = tpu.memref_squeeze %dma_start3A_7 : memref<1x200xi32, #tpu.memory_space<vmem>> -> memref<200xi32, #tpu.memory_space<vmem>>
    %dma_start3A_9 = arith.constant 0 : i32
    %dma_start3A_10 = tpu.memref_slice %arg3[%add3A_4, %dma_start3A_9] : memref<4096x200xi32, #tpu.memory_space<hbm>> -> memref<1x200xi32, #tpu.memory_space<hbm>>
    %dma_start3A_11 = tpu.memref_squeeze %dma_start3A_10 : memref<1x200xi32, #tpu.memory_space<hbm>> -> memref<200xi32, #tpu.memory_space<hbm>>
    %dma_start3A_12 = tpu.memref_slice %arg8[%dma_start3A_5] : memref<2x!tpu.dma_semaphore, #tpu.memory_space<semaphore_mem>> -> memref<1x!tpu.dma_semaphore, #tpu.memory_space<semaphore_mem>>
    %dma_start3A_13 = tpu.memref_squeeze %dma_start3A_12 : memref<1x!tpu.dma_semaphore, #tpu.memory_space<semaphore_mem>> -> memref<!tpu.dma_semaphore, #tpu.memory_space<semaphore_mem>>
    %dma_start3A_14 = arith.constant 0 : i32
    %dma_start3A_15 = tpu.memref_slice %arg5[%dma_start3A, %dma_start3A_14] : memref<2x200xi32, #tpu.memory_space<vmem>> -> memref<1x200xi32, #tpu.memory_space<vmem>>
    %dma_start3A_16 = tpu.memref_squeeze %dma_start3A_15 : memref<1x200xi32, #tpu.memory_space<vmem>> -> memref<200xi32, #tpu.memory_space<vmem>>
    %dma_start3A_17 = arith.constant 0 : i32
    %dma_start3A_18 = tpu.memref_slice %arg3[%add3A_4, %dma_start3A_17] : memref<4096x200xi32, #tpu.memory_space<hbm>> -> memref<1x200xi32, #tpu.memory_space<hbm>>
    %dma_start3A_19 = tpu.memref_squeeze %dma_start3A_18 : memref<1x200xi32, #tpu.memory_space<hbm>> -> memref<200xi32, #tpu.memory_space<hbm>>
    tpu.enqueue_dma source(%dma_start3A_19 : memref<200xi32, #tpu.memory_space<hbm>>) target(%dma_start3A_16 : memref<200xi32, #tpu.memory_space<vmem>>) target_semaphore(%dma_start3A_13 : memref<!tpu.dma_semaphore, #tpu.memory_space<semaphore_mem>>)
    %mul3A_20 = arith.constant 128 : i32
    %mul3A_21 = arith.muli %add3A, %mul3A_20 : i32
    %add3A_22 = arith.constant 1 : i32
    %add3A_23 = arith.addi %mul3A_21, %add3A_22 : i32
    %dma_start3A_24 = arith.constant 1 : i32
    %dma_start3A_25 = arith.constant 1 : i32
    %dma_start3A_26 = arith.constant 0 : i32
    %dma_start3A_27 = tpu.memref_slice %arg5[%dma_start3A_24, %dma_start3A_26] : memref<2x200xi32, #tpu.memory_space<vmem>> -> memref<1x200xi32, #tpu.memory_space<vmem>>
    %dma_start3A_28 = tpu.memref_squeeze %dma_start3A_27 : memref<1x200xi32, #tpu.memory_space<vmem>> -> memref<200xi32, #tpu.memory_space<vmem>>
    %dma_start3A_29 = arith.constant 0 : i32
    %dma_start3A_30 = tpu.memref_slice %arg3[%add3A_23, %dma_start3A_29] : memref<4096x200xi32, #tpu.memory_space<hbm>> -> memref<1x200xi32, #tpu.memory_space<hbm>>
    %dma_start3A_31 = tpu.memref_squeeze %dma_start3A_30 : memref<1x200xi32, #tpu.memory_space<hbm>> -> memref<200xi32, #tpu.memory_space<hbm>>
    %dma_start3A_32 = tpu.memref_slice %arg8[%dma_start3A_25] : memref<2x!tpu.dma_semaphore, #tpu.memory_space<semaphore_mem>> -> memref<1x!tpu.dma_semaphore, #tpu.memory_space<semaphore_mem>>
    %dma_start3A_33 = tpu.memref_squeeze %dma_start3A_32 : memref<1x!tpu.dma_semaphore, #tpu.memory_space<semaphore_mem>> -> memref<!tpu.dma_semaphore, #tpu.memory_space<semaphore_mem>>
    %dma_start3A_34 = arith.constant 0 : i32
    %dma_start3A_35 = tpu.memref_slice %arg5[%dma_start3A_24, %dma_start3A_34] : memref<2x200xi32, #tpu.memory_space<vmem>> -> memref<1x200xi32, #tpu.memory_space<vmem>>
    %dma_start3A_36 = tpu.memref_squeeze %dma_start3A_35 : memref<1x200xi32, #tpu.memory_space<vmem>> -> memref<200xi32, #tpu.memory_space<vmem>>
    %dma_start3A_37 = arith.constant 0 : i32
    %dma_start3A_38 = tpu.memref_slice %arg3[%add3A_23, %dma_start3A_37] : memref<4096x200xi32, #tpu.memory_space<hbm>> -> memref<1x200xi32, #tpu.memory_space<hbm>>
    %dma_start3A_39 = tpu.memref_squeeze %dma_start3A_38 : memref<1x200xi32, #tpu.memory_space<hbm>> -> memref<200xi32, #tpu.memory_space<hbm>>
    tpu.enqueue_dma source(%dma_start3A_39 : memref<200xi32, #tpu.memory_space<hbm>>) target(%dma_start3A_36 : memref<200xi32, #tpu.memory_space<vmem>>) target_semaphore(%dma_start3A_33 : memref<!tpu.dma_semaphore, #tpu.memory_space<semaphore_mem>>)
    %mul3A_40 = arith.constant 128 : i32
    %mul3A_41 = arith.muli %add3A, %mul3A_40 : i32
    %add3A_42 = arith.constant 0 : i32
    %add3A_43 = arith.addi %mul3A_41, %add3A_42 : i32
    %dma_wait3A = arith.constant 0 : i32
    %dma_wait3A_44 = arith.constant 0 : i32
    %dma_wait3A_45 = arith.constant 0 : i32
    %dma_wait3A_46 = tpu.memref_slice %arg5[%dma_wait3A, %dma_wait3A_45] : memref<2x200xi32, #tpu.memory_space<vmem>> -> memref<1x200xi32, #tpu.memory_space<vmem>>
    %dma_wait3A_47 = tpu.memref_squeeze %dma_wait3A_46 : memref<1x200xi32, #tpu.memory_space<vmem>> -> memref<200xi32, #tpu.memory_space<vmem>>
    %dma_wait3A_48 = arith.constant 0 : i32
    %dma_wait3A_49 = tpu.memref_slice %arg3[%add3A_43, %dma_wait3A_48] : memref<4096x200xi32, #tpu.memory_space<hbm>> -> memref<1x200xi32, #tpu.memory_space<hbm>>
    %dma_wait3A_50 = tpu.memref_squeeze %dma_wait3A_49 : memref<1x200xi32, #tpu.memory_space<hbm>> -> memref<200xi32, #tpu.memory_space<hbm>>
    %dma_wait3A_51 = tpu.memref_slice %arg8[%dma_wait3A_44] : memref<2x!tpu.dma_semaphore, #tpu.memory_space<semaphore_mem>> -> memref<1x!tpu.dma_semaphore, #tpu.memory_space<semaphore_mem>>
    %dma_wait3A_52 = tpu.memref_squeeze %dma_wait3A_51 : memref<1x!tpu.dma_semaphore, #tpu.memory_space<semaphore_mem>> -> memref<!tpu.dma_semaphore, #tpu.memory_space<semaphore_mem>>
    %dma_wait3A_53 = arith.constant 0 : i32
    %dma_wait3A_54 = tpu.memref_slice %arg5[%dma_wait3A, %dma_wait3A_53] : memref<2x200xi32, #tpu.memory_space<vmem>> -> memref<1x200xi32, #tpu.memory_space<vmem>>
    %dma_wait3A_55 = tpu.memref_squeeze %dma_wait3A_54 : memref<1x200xi32, #tpu.memory_space<vmem>> -> memref<200xi32, #tpu.memory_space<vmem>>
    %dma_wait3A_56 = arith.constant 0 : i32
    %dma_wait3A_57 = tpu.memref_slice %arg3[%add3A_43, %dma_wait3A_56] : memref<4096x200xi32, #tpu.memory_space<hbm>> -> memref<1x200xi32, #tpu.memory_space<hbm>>
    %dma_wait3A_58 = tpu.memref_squeeze %dma_wait3A_57 : memref<1x200xi32, #tpu.memory_space<hbm>> -> memref<200xi32, #tpu.memory_space<hbm>>
    tpu.wait_dma2 semaphore(%dma_wait3A_52 : memref<!tpu.dma_semaphore, #tpu.memory_space<semaphore_mem>>) src(%dma_wait3A_58 : memref<200xi32, #tpu.memory_space<hbm>>) dst(%dma_wait3A_55 : memref<200xi32, #tpu.memory_space<vmem>>)
    %dma_start3A_59 = arith.constant 0 : i32
    %dma_start3A_60 = arith.constant 0 : i32
    %dma_start3A_61 = arith.constant 0 : i32
    %dma_start3A_62 = arith.constant 0 : i32
    %dma_start3A_63 = arith.constant 0 : i32
    %dma_start3A_64 = tpu.memref_slice %arg6[%dma_start3A_60, %dma_start3A_62, %dma_start3A_63] : memref<2x200x128xf32, #tpu.memory_space<vmem>> -> memref<1x200x128xf32, #tpu.memory_space<vmem>>
    %dma_start3A_65 = tpu.memref_squeeze %dma_start3A_64 : memref<1x200x128xf32, #tpu.memory_space<vmem>> -> memref<200x128xf32, #tpu.memory_space<vmem>>
    %dma_start3A_66 = arith.constant 0 : i32
    %dma_start3A_67 = arith.constant 0 : i32
    %dma_start3A_68 = tpu.memref_slice %dma_start3A_65[%dma_start3A_66, %dma_start3A_67] : memref<200x128xf32, #tpu.memory_space<vmem>> -> memref<128x128xf32, #tpu.memory_space<vmem>>
    %dma_start3A_69 = arith.constant 0 : i32
    %dma_start3A_70 = tpu.memref_slice %arg5[%dma_start3A_59, %dma_start3A_69] : memref<2x200xi32, #tpu.memory_space<vmem>> -> memref<1x200xi32, #tpu.memory_space<vmem>>
    %dma_start3A_71 = tpu.memref_squeeze %dma_start3A_70 : memref<1x200xi32, #tpu.memory_space<vmem>> -> memref<200xi32, #tpu.memory_space<vmem>>
    %dma_start3A_72 = arith.constant 0 : i32
    %dma_start3A_73 = tpu.memref_slice %dma_start3A_71[%dma_start3A_72] : memref<200xi32, #tpu.memory_space<vmem>> -> memref<128xi32, #tpu.memory_space<vmem>>
    %dma_start3A_74 = arith.constant 0 : i32
    %dma_start3A_75 = arith.constant 0 : i32
    %dma_start3A_76 = tpu.memref_slice %arg2[%dma_start3A_74, %dma_start3A_75] : memref<1000000x128xf32, #tpu.memory_space<hbm>> -> memref<1000000x128xf32, #tpu.memory_space<hbm>>
    %dma_start3A_77 = tpu.memref_slice %arg9[%dma_start3A_61] : memref<2x!tpu.dma_semaphore, #tpu.memory_space<semaphore_mem>> -> memref<1x!tpu.dma_semaphore, #tpu.memory_space<semaphore_mem>>
    %dma_start3A_78 = tpu.memref_squeeze %dma_start3A_77 : memref<1x!tpu.dma_semaphore, #tpu.memory_space<semaphore_mem>> -> memref<!tpu.dma_semaphore, #tpu.memory_space<semaphore_mem>>
    tpu.enqueue_indirect_dma source(%dma_start3A_76 : memref<1000000x128xf32, #tpu.memory_space<hbm>>) target(%dma_start3A_68 : memref<128x128xf32, #tpu.memory_space<vmem>>) offsets(%dma_start3A_73 : memref<128xi32, #tpu.memory_space<vmem>>) semaphore(%dma_start3A_78 : memref<!tpu.dma_semaphore, #tpu.memory_space<semaphore_mem>>)
    %dma_start3A_79 = arith.constant 0 : i32
    %dma_start3A_80 = arith.constant 0 : i32
    %dma_start3A_81 = arith.constant 0 : i32
    %dma_start3A_82 = arith.constant 0 : i32
    %dma_start3A_83 = arith.constant 0 : i32
    %dma_start3A_84 = tpu.memref_slice %arg6[%dma_start3A_80, %dma_start3A_82, %dma_start3A_83] : memref<2x200x128xf32, #tpu.memory_space<vmem>> -> memref<1x200x128xf32, #tpu.memory_space<vmem>>
    %dma_start3A_85 = tpu.memref_squeeze %dma_start3A_84 : memref<1x200x128xf32, #tpu.memory_space<vmem>> -> memref<200x128xf32, #tpu.memory_space<vmem>>
    %dma_start3A_86 = arith.constant 128 : i32
    %dma_start3A_87 = arith.constant 0 : i32
    %dma_start3A_88 = tpu.memref_slice %dma_start3A_85[%dma_start3A_86, %dma_start3A_87] : memref<200x128xf32, #tpu.memory_space<vmem>> -> memref<72x128xf32, #tpu.memory_space<vmem>>
    %dma_start3A_89 = arith.constant 0 : i32
    %dma_start3A_90 = tpu.memref_slice %arg5[%dma_start3A_79, %dma_start3A_89] : memref<2x200xi32, #tpu.memory_space<vmem>> -> memref<1x200xi32, #tpu.memory_space<vmem>>
    %dma_start3A_91 = tpu.memref_squeeze %dma_start3A_90 : memref<1x200xi32, #tpu.memory_space<vmem>> -> memref<200xi32, #tpu.memory_space<vmem>>
    %dma_start3A_92 = arith.constant 128 : i32
    %dma_start3A_93 = tpu.memref_slice %dma_start3A_91[%dma_start3A_92] : memref<200xi32, #tpu.memory_space<vmem>> -> memref<72xi32, #tpu.memory_space<vmem>>
    %dma_start3A_94 = arith.constant 0 : i32
    %dma_start3A_95 = arith.constant 0 : i32
    %dma_start3A_96 = tpu.memref_slice %arg2[%dma_start3A_94, %dma_start3A_95] : memref<1000000x128xf32, #tpu.memory_space<hbm>> -> memref<1000000x128xf32, #tpu.memory_space<hbm>>
    %dma_start3A_97 = tpu.memref_slice %arg9[%dma_start3A_81] : memref<2x!tpu.dma_semaphore, #tpu.memory_space<semaphore_mem>> -> memref<1x!tpu.dma_semaphore, #tpu.memory_space<semaphore_mem>>
    %dma_start3A_98 = tpu.memref_squeeze %dma_start3A_97 : memref<1x!tpu.dma_semaphore, #tpu.memory_space<semaphore_mem>> -> memref<!tpu.dma_semaphore, #tpu.memory_space<semaphore_mem>>
    tpu.enqueue_indirect_dma source(%dma_start3A_96 : memref<1000000x128xf32, #tpu.memory_space<hbm>>) target(%dma_start3A_88 : memref<72x128xf32, #tpu.memory_space<vmem>>) offsets(%dma_start3A_93 : memref<72xi32, #tpu.memory_space<vmem>>) semaphore(%dma_start3A_98 : memref<!tpu.dma_semaphore, #tpu.memory_space<semaphore_mem>>)
    %scan3A = arith.constant 0 : i32
    %scan3A_99 = arith.constant 64 : i32
    %scan3A_100 = arith.addi %scan3A, %scan3A_99 : i32
    %scan3A_101 = arith.constant 1 : i32
    scf.for %scan3A_207 = %scan3A to %scan3A_100 step %scan3A_101  : i32 {
      %mul3A_208 = arith.constant 1 : i32
      %mul3A_209 = arith.muli %scan3A_207, %mul3A_208 : i32
      %add3A_210 = arith.constant 0 : i32
      %add3A_211 = arith.addi %add3A_210, %mul3A_209 : i32
      %mul3A_212 = arith.constant 2 : i32
      %mul3A_213 = arith.muli %mul3A_212, %add3A_211 : i32
      %add3A_214 = arith.constant 0 : i32
      %add3A_215 = arith.addi %mul3A_213, %add3A_214 : i32
      %add3A_216 = arith.constant 1 : i32
      %add3A_217 = arith.addi %add3A_215, %add3A_216 : i32
      %min3A = arith.constant 127 : i32
      %min3A_218 = arith.minsi %add3A_217, %min3A : i32
      %add3A_219 = arith.constant 2 : i32
      %add3A_220 = arith.addi %add3A_215, %add3A_219 : i32
      %min3A_221 = arith.constant 127 : i32
      %min3A_222 = arith.minsi %add3A_220, %min3A_221 : i32
      %dma_wait3A_223 = arith.constant 0 : i32
      %dma_wait3A_224 = arith.constant 0 : i32
      %dma_wait3A_225 = arith.constant 0 : i32
      %dma_wait3A_226 = arith.constant 0 : i32
      %dma_wait3A_227 = arith.constant 0 : i32
      %dma_wait3A_228 = tpu.memref_slice %arg6[%dma_wait3A_224, %dma_wait3A_226, %dma_wait3A_227] : memref<2x200x128xf32, #tpu.memory_space<vmem>> -> memref<1x200x128xf32, #tpu.memory_space<vmem>>
      %dma_wait3A_229 = tpu.memref_squeeze %dma_wait3A_228 : memref<1x200x128xf32, #tpu.memory_space<vmem>> -> memref<200x128xf32, #tpu.memory_space<vmem>>
      %dma_wait3A_230 = arith.constant 0 : i32
      %dma_wait3A_231 = arith.constant 0 : i32
      %dma_wait3A_232 = tpu.memref_slice %dma_wait3A_229[%dma_wait3A_230, %dma_wait3A_231] : memref<200x128xf32, #tpu.memory_space<vmem>> -> memref<128x128xf32, #tpu.memory_space<vmem>>
      %dma_wait3A_233 = arith.constant 0 : i32
      %dma_wait3A_234 = tpu.memref_slice %arg5[%dma_wait3A_223, %dma_wait3A_233] : memref<2x200xi32, #tpu.memory_space<vmem>> -> memref<1x200xi32, #tpu.memory_space<vmem>>
      %dma_wait3A_235 = tpu.memref_squeeze %dma_wait3A_234 : memref<1x200xi32, #tpu.memory_space<vmem>> -> memref<200xi32, #tpu.memory_space<vmem>>
      %dma_wait3A_236 = arith.constant 0 : i32
      %dma_wait3A_237 = tpu.memref_slice %dma_wait3A_235[%dma_wait3A_236] : memref<200xi32, #tpu.memory_space<vmem>> -> memref<128xi32, #tpu.memory_space<vmem>>
      %dma_wait3A_238 = arith.constant 0 : i32
      %dma_wait3A_239 = arith.constant 0 : i32
      %dma_wait3A_240 = tpu.memref_slice %arg2[%dma_wait3A_238, %dma_wait3A_239] : memref<1000000x128xf32, #tpu.memory_space<hbm>> -> memref<1000000x128xf32, #tpu.memory_space<hbm>>
      %dma_wait3A_241 = tpu.memref_slice %arg9[%dma_wait3A_225] : memref<2x!tpu.dma_semaphore, #tpu.memory_space<semaphore_mem>> -> memref<1x!tpu.dma_semaphore, #tpu.memory_space<semaphore_mem>>
      %dma_wait3A_242 = tpu.memref_squeeze %dma_wait3A_241 : memref<1x!tpu.dma_semaphore, #tpu.memory_space<semaphore_mem>> -> memref<!tpu.dma_semaphore, #tpu.memory_space<semaphore_mem>>
      tpu.wait_indirect_dma semaphore(%dma_wait3A_242 : memref<!tpu.dma_semaphore, #tpu.memory_space<semaphore_mem>>) src(%dma_wait3A_240 : memref<1000000x128xf32, #tpu.memory_space<hbm>>) dst(%dma_wait3A_232 : memref<128x128xf32, #tpu.memory_space<vmem>>)
      %dma_wait3A_243 = arith.constant 0 : i32
      %dma_wait3A_244 = arith.constant 0 : i32
      %dma_wait3A_245 = arith.constant 0 : i32
      %dma_wait3A_246 = arith.constant 0 : i32
      %dma_wait3A_247 = arith.constant 0 : i32
      %dma_wait3A_248 = tpu.memref_slice %arg6[%dma_wait3A_244, %dma_wait3A_246, %dma_wait3A_247] : memref<2x200x128xf32, #tpu.memory_space<vmem>> -> memref<1x200x128xf32, #tpu.memory_space<vmem>>
      %dma_wait3A_249 = tpu.memref_squeeze %dma_wait3A_248 : memref<1x200x128xf32, #tpu.memory_space<vmem>> -> memref<200x128xf32, #tpu.memory_space<vmem>>
      %dma_wait3A_250 = arith.constant 128 : i32
      %dma_wait3A_251 = arith.constant 0 : i32
      %dma_wait3A_252 = tpu.memref_slice %dma_wait3A_249[%dma_wait3A_250, %dma_wait3A_251] : memref<200x128xf32, #tpu.memory_space<vmem>> -> memref<72x128xf32, #tpu.memory_space<vmem>>
      %dma_wait3A_253 = arith.constant 0 : i32
      %dma_wait3A_254 = tpu.memref_slice %arg5[%dma_wait3A_243, %dma_wait3A_253] : memref<2x200xi32, #tpu.memory_space<vmem>> -> memref<1x200xi32, #tpu.memory_space<vmem>>
      %dma_wait3A_255 = tpu.memref_squeeze %dma_wait3A_254 : memref<1x200xi32, #tpu.memory_space<vmem>> -> memref<200xi32, #tpu.memory_space<vmem>>
      %dma_wait3A_256 = arith.constant 128 : i32
      %dma_wait3A_257 = tpu.memref_slice %dma_wait3A_255[%dma_wait3A_256] : memref<200xi32, #tpu.memory_space<vmem>> -> memref<72xi32, #tpu.memory_space<vmem>>
      %dma_wait3A_258 = arith.constant 0 : i32
      %dma_wait3A_259 = arith.constant 0 : i32
      %dma_wait3A_260 = tpu.memref_slice %arg2[%dma_wait3A_258, %dma_wait3A_259] : memref<1000000x128xf32, #tpu.memory_space<hbm>> -> memref<1000000x128xf32, #tpu.memory_space<hbm>>
      %dma_wait3A_261 = tpu.memref_slice %arg9[%dma_wait3A_245] : memref<2x!tpu.dma_semaphore, #tpu.memory_space<semaphore_mem>> -> memref<1x!tpu.dma_semaphore, #tpu.memory_space<semaphore_mem>>
      %dma_wait3A_262 = tpu.memref_squeeze %dma_wait3A_261 : memref<1x!tpu.dma_semaphore, #tpu.memory_space<semaphore_mem>> -> memref<!tpu.dma_semaphore, #tpu.memory_space<semaphore_mem>>
      tpu.wait_indirect_dma semaphore(%dma_wait3A_262 : memref<!tpu.dma_semaphore, #tpu.memory_space<semaphore_mem>>) src(%dma_wait3A_260 : memref<1000000x128xf32, #tpu.memory_space<hbm>>) dst(%dma_wait3A_252 : memref<72x128xf32, #tpu.memory_space<vmem>>)
      %mul3A_263 = arith.constant 128 : i32
      %mul3A_264 = arith.muli %add3A, %mul3A_263 : i32
      %add3A_265 = arith.addi %mul3A_264, %min3A_218 : i32
      %dma_wait3A_266 = arith.constant 1 : i32
      %dma_wait3A_267 = arith.constant 1 : i32
      %dma_wait3A_268 = arith.constant 0 : i32
      %dma_wait3A_269 = tpu.memref_slice %arg5[%dma_wait3A_266, %dma_wait3A_268] : memref<2x200xi32, #tpu.memory_space<vmem>> -> memref<1x200xi32, #tpu.memory_space<vmem>>
      %dma_wait3A_270 = tpu.memref_squeeze %dma_wait3A_269 : memref<1x200xi32, #tpu.memory_space<vmem>> -> memref<200xi32, #tpu.memory_space<vmem>>
      %dma_wait3A_271 = arith.constant 0 : i32
      %dma_wait3A_272 = tpu.memref_slice %arg3[%add3A_265, %dma_wait3A_271] : memref<4096x200xi32, #tpu.memory_space<hbm>> -> memref<1x200xi32, #tpu.memory_space<hbm>>
      %dma_wait3A_273 = tpu.memref_squeeze %dma_wait3A_272 : memref<1x200xi32, #tpu.memory_space<hbm>> -> memref<200xi32, #tpu.memory_space<hbm>>
      %dma_wait3A_274 = tpu.memref_slice %arg8[%dma_wait3A_267] : memref<2x!tpu.dma_semaphore, #tpu.memory_space<semaphore_mem>> -> memref<1x!tpu.dma_semaphore, #tpu.memory_space<semaphore_mem>>
      %dma_wait3A_275 = tpu.memref_squeeze %dma_wait3A_274 : memref<1x!tpu.dma_semaphore, #tpu.memory_space<semaphore_mem>> -> memref<!tpu.dma_semaphore, #tpu.memory_space<semaphore_mem>>
      %dma_wait3A_276 = arith.constant 0 : i32
      %dma_wait3A_277 = tpu.memref_slice %arg5[%dma_wait3A_266, %dma_wait3A_276] : memref<2x200xi32, #tpu.memory_space<vmem>> -> memref<1x200xi32, #tpu.memory_space<vmem>>
      %dma_wait3A_278 = tpu.memref_squeeze %dma_wait3A_277 : memref<1x200xi32, #tpu.memory_space<vmem>> -> memref<200xi32, #tpu.memory_space<vmem>>
      %dma_wait3A_279 = arith.constant 0 : i32
      %dma_wait3A_280 = tpu.memref_slice %arg3[%add3A_265, %dma_wait3A_279] : memref<4096x200xi32, #tpu.memory_space<hbm>> -> memref<1x200xi32, #tpu.memory_space<hbm>>
      %dma_wait3A_281 = tpu.memref_squeeze %dma_wait3A_280 : memref<1x200xi32, #tpu.memory_space<hbm>> -> memref<200xi32, #tpu.memory_space<hbm>>
      tpu.wait_dma2 semaphore(%dma_wait3A_275 : memref<!tpu.dma_semaphore, #tpu.memory_space<semaphore_mem>>) src(%dma_wait3A_281 : memref<200xi32, #tpu.memory_space<hbm>>) dst(%dma_wait3A_278 : memref<200xi32, #tpu.memory_space<vmem>>)
      %dma_start3A_282 = arith.constant 1 : i32
      %dma_start3A_283 = arith.constant 1 : i32
      %dma_start3A_284 = arith.constant 1 : i32
      %dma_start3A_285 = arith.constant 0 : i32
      %dma_start3A_286 = arith.constant 0 : i32
      %dma_start3A_287 = tpu.memref_slice %arg6[%dma_start3A_283, %dma_start3A_285, %dma_start3A_286] : memref<2x200x128xf32, #tpu.memory_space<vmem>> -> memref<1x200x128xf32, #tpu.memory_space<vmem>>
      %dma_start3A_288 = tpu.memref_squeeze %dma_start3A_287 : memref<1x200x128xf32, #tpu.memory_space<vmem>> -> memref<200x128xf32, #tpu.memory_space<vmem>>
      %dma_start3A_289 = arith.constant 0 : i32
      %dma_start3A_290 = arith.constant 0 : i32
      %dma_start3A_291 = tpu.memref_slice %dma_start3A_288[%dma_start3A_289, %dma_start3A_290] : memref<200x128xf32, #tpu.memory_space<vmem>> -> memref<128x128xf32, #tpu.memory_space<vmem>>
      %dma_start3A_292 = arith.constant 0 : i32
      %dma_start3A_293 = tpu.memref_slice %arg5[%dma_start3A_282, %dma_start3A_292] : memref<2x200xi32, #tpu.memory_space<vmem>> -> memref<1x200xi32, #tpu.memory_space<vmem>>
      %dma_start3A_294 = tpu.memref_squeeze %dma_start3A_293 : memref<1x200xi32, #tpu.memory_space<vmem>> -> memref<200xi32, #tpu.memory_space<vmem>>
      %dma_start3A_295 = arith.constant 0 : i32
      %dma_start3A_296 = tpu.memref_slice %dma_start3A_294[%dma_start3A_295] : memref<200xi32, #tpu.memory_space<vmem>> -> memref<128xi32, #tpu.memory_space<vmem>>
      %dma_start3A_297 = arith.constant 0 : i32
      %dma_start3A_298 = arith.constant 0 : i32
      %dma_start3A_299 = tpu.memref_slice %arg2[%dma_start3A_297, %dma_start3A_298] : memref<1000000x128xf32, #tpu.memory_space<hbm>> -> memref<1000000x128xf32, #tpu.memory_space<hbm>>
      %dma_start3A_300 = tpu.memref_slice %arg9[%dma_start3A_284] : memref<2x!tpu.dma_semaphore, #tpu.memory_space<semaphore_mem>> -> memref<1x!tpu.dma_semaphore, #tpu.memory_space<semaphore_mem>>
      %dma_start3A_301 = tpu.memref_squeeze %dma_start3A_300 : memref<1x!tpu.dma_semaphore, #tpu.memory_space<semaphore_mem>> -> memref<!tpu.dma_semaphore, #tpu.memory_space<semaphore_mem>>
      tpu.enqueue_indirect_dma source(%dma_start3A_299 : memref<1000000x128xf32, #tpu.memory_space<hbm>>) target(%dma_start3A_291 : memref<128x128xf32, #tpu.memory_space<vmem>>) offsets(%dma_start3A_296 : memref<128xi32, #tpu.memory_space<vmem>>) semaphore(%dma_start3A_301 : memref<!tpu.dma_semaphore, #tpu.memory_space<semaphore_mem>>)
      %dma_start3A_302 = arith.constant 1 : i32
      %dma_start3A_303 = arith.constant 1 : i32
      %dma_start3A_304 = arith.constant 1 : i32
      %dma_start3A_305 = arith.constant 0 : i32
      %dma_start3A_306 = arith.constant 0 : i32
      %dma_start3A_307 = tpu.memref_slice %arg6[%dma_start3A_303, %dma_start3A_305, %dma_start3A_306] : memref<2x200x128xf32, #tpu.memory_space<vmem>> -> memref<1x200x128xf32, #tpu.memory_space<vmem>>
      %dma_start3A_308 = tpu.memref_squeeze %dma_start3A_307 : memref<1x200x128xf32, #tpu.memory_space<vmem>> -> memref<200x128xf32, #tpu.memory_space<vmem>>
      %dma_start3A_309 = arith.constant 128 : i32
      %dma_start3A_310 = arith.constant 0 : i32
      %dma_start3A_311 = tpu.memref_slice %dma_start3A_308[%dma_start3A_309, %dma_start3A_310] : memref<200x128xf32, #tpu.memory_space<vmem>> -> memref<72x128xf32, #tpu.memory_space<vmem>>
      %dma_start3A_312 = arith.constant 0 : i32
      %dma_start3A_313 = tpu.memref_slice %arg5[%dma_start3A_302, %dma_start3A_312] : memref<2x200xi32, #tpu.memory_space<vmem>> -> memref<1x200xi32, #tpu.memory_space<vmem>>
      %dma_start3A_314 = tpu.memref_squeeze %dma_start3A_313 : memref<1x200xi32, #tpu.memory_space<vmem>> -> memref<200xi32, #tpu.memory_space<vmem>>
      %dma_start3A_315 = arith.constant 128 : i32
      %dma_start3A_316 = tpu.memref_slice %dma_start3A_314[%dma_start3A_315] : memref<200xi32, #tpu.memory_space<vmem>> -> memref<72xi32, #tpu.memory_space<vmem>>
      %dma_start3A_317 = arith.constant 0 : i32
      %dma_start3A_318 = arith.constant 0 : i32
      %dma_start3A_319 = tpu.memref_slice %arg2[%dma_start3A_317, %dma_start3A_318] : memref<1000000x128xf32, #tpu.memory_space<hbm>> -> memref<1000000x128xf32, #tpu.memory_space<hbm>>
      %dma_start3A_320 = tpu.memref_slice %arg9[%dma_start3A_304] : memref<2x!tpu.dma_semaphore, #tpu.memory_space<semaphore_mem>> -> memref<1x!tpu.dma_semaphore, #tpu.memory_space<semaphore_mem>>
      %dma_start3A_321 = tpu.memref_squeeze %dma_start3A_320 : memref<1x!tpu.dma_semaphore, #tpu.memory_space<semaphore_mem>> -> memref<!tpu.dma_semaphore, #tpu.memory_space<semaphore_mem>>
      tpu.enqueue_indirect_dma source(%dma_start3A_319 : memref<1000000x128xf32, #tpu.memory_space<hbm>>) target(%dma_start3A_311 : memref<72x128xf32, #tpu.memory_space<vmem>>) offsets(%dma_start3A_316 : memref<72xi32, #tpu.memory_space<vmem>>) semaphore(%dma_start3A_321 : memref<!tpu.dma_semaphore, #tpu.memory_space<semaphore_mem>>)
      %ge3A = arith.constant 2 : i32
      %ge3A_322 = arith.cmpi sge, %add3A_215, %ge3A : i32
      %convert_element_type3A = arith.extui %ge3A_322 : i1 to i32
      %cond3A = arith.constant 0 : i32
      %cond3A_323 = arith.cmpi ne, %convert_element_type3A, %cond3A : i32
      scf.if %cond3A_323 {
        %sub3A = arith.constant 2 : i32
        %sub3A_530 = arith.subi %add3A_215, %sub3A : i32
        %mul3A_531 = arith.constant 128 : i32
        %mul3A_532 = arith.muli %add3A, %mul3A_531 : i32
        %add3A_533 = arith.addi %mul3A_532, %sub3A_530 : i32
        %mul3A_534 = arith.constant 200 : i32
        %mul3A_535 = arith.muli %add3A_533, %mul3A_534 : i32
        %dma_wait3A_536 = arith.constant 0 : i32
        %dma_wait3A_537 = arith.constant 0 : i32
        %dma_wait3A_538 = arith.constant 0 : i32
        %dma_wait3A_539 = arith.constant 0 : i32
        %dma_wait3A_540 = tpu.memref_slice %arg7[%dma_wait3A_536, %dma_wait3A_538, %dma_wait3A_539] : memref<2x200x64xf32, #tpu.memory_space<vmem>> -> memref<1x200x64xf32, #tpu.memory_space<vmem>>
        %dma_wait3A_541 = tpu.memref_squeeze %dma_wait3A_540 : memref<1x200x64xf32, #tpu.memory_space<vmem>> -> memref<200x64xf32, #tpu.memory_space<vmem>>
        %dma_wait3A_542 = arith.constant 0 : i32
        %dma_wait3A_543 = tpu.memref_slice %arg4[%mul3A_535, %dma_wait3A_542] : memref<819200x64xf32, #tpu.memory_space<hbm>> -> memref<200x64xf32, #tpu.memory_space<hbm>>
        %dma_wait3A_544 = tpu.memref_slice %arg10[%dma_wait3A_537] : memref<2x!tpu.dma_semaphore, #tpu.memory_space<semaphore_mem>> -> memref<1x!tpu.dma_semaphore, #tpu.memory_space<semaphore_mem>>
        %dma_wait3A_545 = tpu.memref_squeeze %dma_wait3A_544 : memref<1x!tpu.dma_semaphore, #tpu.memory_space<semaphore_mem>> -> memref<!tpu.dma_semaphore, #tpu.memory_space<semaphore_mem>>
        %dma_wait3A_546 = arith.constant 0 : i32
        %dma_wait3A_547 = tpu.memref_slice %arg4[%mul3A_535, %dma_wait3A_546] : memref<819200x64xf32, #tpu.memory_space<hbm>> -> memref<200x64xf32, #tpu.memory_space<hbm>>
        %dma_wait3A_548 = arith.constant 0 : i32
        %dma_wait3A_549 = arith.constant 0 : i32
        %dma_wait3A_550 = tpu.memref_slice %arg7[%dma_wait3A_536, %dma_wait3A_548, %dma_wait3A_549] : memref<2x200x64xf32, #tpu.memory_space<vmem>> -> memref<1x200x64xf32, #tpu.memory_space<vmem>>
        %dma_wait3A_551 = tpu.memref_squeeze %dma_wait3A_550 : memref<1x200x64xf32, #tpu.memory_space<vmem>> -> memref<200x64xf32, #tpu.memory_space<vmem>>
        tpu.wait_dma2 semaphore(%dma_wait3A_545 : memref<!tpu.dma_semaphore, #tpu.memory_space<semaphore_mem>>) src(%dma_wait3A_551 : memref<200x64xf32, #tpu.memory_space<vmem>>) dst(%dma_wait3A_547 : memref<200x64xf32, #tpu.memory_space<hbm>>)
      } else {
      }
      %scan3A_324 = arith.constant 0 : i32
      %scan3A_325 = arith.constant 200 : i32
      %scan3A_326 = arith.addi %scan3A_324, %scan3A_325 : i32
      %scan3A_327 = arith.constant 1 : i32
      scf.for %scan3A_530 = %scan3A_324 to %scan3A_326 step %scan3A_327  : i32 {
        %mul3A_531 = arith.constant 1 : i32
        %mul3A_532 = arith.muli %scan3A_530, %mul3A_531 : i32
        %add3A_533 = arith.constant 0 : i32
        %add3A_534 = arith.addi %add3A_533, %mul3A_532 : i32
        %get3A = arith.constant 0 : i32
        %get3A_535 = arith.index_cast %get3A : i32 to index
        %get3A_536 = arith.index_cast %add3A_534 : i32 to index
        %get3A_537 = arith.constant 0 : index
        %get3A_538 = tpu.vector_load %arg6[%get3A_535, %get3A_536, %get3A_537] {strides = array<i32>} : memref<2x200x128xf32, #tpu.memory_space<vmem>>, vector<1x1x16xf32>,
        %get3A_539 = vector.shape_cast %get3A_538 : vector<1x1x16xf32> to vector<16xf32>
        %swap3A = arith.constant 0 : i32
        %swap3A_540 = arith.index_cast %swap3A : i32 to index
        %swap3A_541 = arith.index_cast %add3A_534 : i32 to index
        %swap3A_542 = arith.constant 0 : index
        %swap3A_543 = tpu.vector_load %arg7[%swap3A_540, %swap3A_541, %swap3A_542] {strides = array<i32>} : memref<2x200x64xf32, #tpu.memory_space<vmem>>, vector<1x1x16xf32>,
        %swap3A_544 = vector.shape_cast %swap3A_543 : vector<1x1x16xf32> to vector<16xf32>
        %swap3A_545 = vector.shape_cast %get3A_539 : vector<16xf32> to vector<1x1x16xf32>
        tpu.vector_store %arg7[%swap3A_540, %swap3A_541, %swap3A_542], %swap3A_545 {strides = array<i32>} : memref<2x200x64xf32, #tpu.memory_space<vmem>>, vector<1x1x16xf32>,
        %get3A_546 = arith.constant 0 : i32
        %get3A_547 = arith.index_cast %get3A_546 : i32 to index
        %get3A_548 = arith.index_cast %add3A_534 : i32 to index
        %get3A_549 = arith.constant 16 : index
        %get3A_550 = tpu.vector_load %arg6[%get3A_547, %get3A_548, %get3A_549] {strides = array<i32>} : memref<2x200x128xf32, #tpu.memory_space<vmem>>, vector<1x1x16xf32>,
        %get3A_551 = vector.shape_cast %get3A_550 : vector<1x1x16xf32> to vector<16xf32>
        %swap3A_552 = arith.constant 0 : i32
        %swap3A_553 = arith.index_cast %swap3A_552 : i32 to index
        %swap3A_554 = arith.index_cast %add3A_534 : i32 to index
        %swap3A_555 = arith.constant 16 : index
        %swap3A_556 = tpu.vector_load %arg7[%swap3A_553, %swap3A_554, %swap3A_555] {strides = array<i32>} : memref<2x200x64xf32, #tpu.memory_space<vmem>>, vector<1x1x16xf32>,
        %swap3A_557 = vector.shape_cast %swap3A_556 : vector<1x1x16xf32> to vector<16xf32>
        %swap3A_558 = vector.shape_cast %get3A_551 : vector<16xf32> to vector<1x1x16xf32>
        tpu.vector_store %arg7[%swap3A_553, %swap3A_554, %swap3A_555], %swap3A_558 {strides = array<i32>} : memref<2x200x64xf32, #tpu.memory_space<vmem>>, vector<1x1x16xf32>,
        %get3A_559 = arith.constant 0 : i32
        %get3A_560 = arith.index_cast %get3A_559 : i32 to index
        %get3A_561 = arith.index_cast %add3A_534 : i32 to index
        %get3A_562 = arith.constant 32 : index
        %get3A_563 = tpu.vector_load %arg6[%get3A_560, %get3A_561, %get3A_562] {strides = array<i32>} : memref<2x200x128xf32, #tpu.memory_space<vmem>>, vector<1x1x16xf32>,
        %get3A_564 = vector.shape_cast %get3A_563 : vector<1x1x16xf32> to vector<16xf32>
        %swap3A_565 = arith.constant 0 : i32
        %swap3A_566 = arith.index_cast %swap3A_565 : i32 to index
        %swap3A_567 = arith.index_cast %add3A_534 : i32 to index
        %swap3A_568 = arith.constant 32 : index
        %swap3A_569 = tpu.vector_load %arg7[%swap3A_566, %swap3A_567, %swap3A_568] {strides = array<i32>} : memref<2x200x64xf32, #tpu.memory_space<vmem>>, vector<1x1x16xf32>,
        %swap3A_570 = vector.shape_cast %swap3A_569 : vector<1x1x16xf32> to vector<16xf32>
        %swap3A_571 = vector.shape_cast %get3A_564 : vector<16xf32> to vector<1x1x16xf32>
        tpu.vector_store %arg7[%swap3A_566, %swap3A_567, %swap3A_568], %swap3A_571 {strides = array<i32>} : memref<2x200x64xf32, #tpu.memory_space<vmem>>, vector<1x1x16xf32>,
        %get3A_572 = arith.constant 0 : i32
        %get3A_573 = arith.index_cast %get3A_572 : i32 to index
        %get3A_574 = arith.index_cast %add3A_534 : i32 to index
        %get3A_575 = arith.constant 48 : index
        %get3A_576 = tpu.vector_load %arg6[%get3A_573, %get3A_574, %get3A_575] {strides = array<i32>} : memref<2x200x128xf32, #tpu.memory_space<vmem>>, vector<1x1x16xf32>,
        %get3A_577 = vector.shape_cast %get3A_576 : vector<1x1x16xf32> to vector<16xf32>
        %swap3A_578 = arith.constant 0 : i32
        %swap3A_579 = arith.index_cast %swap3A_578 : i32 to index
        %swap3A_580 = arith.index_cast %add3A_534 : i32 to index
        %swap3A_581 = arith.constant 48 : index
        %swap3A_582 = tpu.vector_load %arg7[%swap3A_579, %swap3A_580, %swap3A_581] {strides = array<i32>} : memref<2x200x64xf32, #tpu.memory_space<vmem>>, vector<1x1x16xf32>,
        %swap3A_583 = vector.shape_cast %swap3A_582 : vector<1x1x16xf32> to vector<16xf32>
        %swap3A_584 = vector.shape_cast %get3A_577 : vector<16xf32> to vector<1x1x16xf32>
        tpu.vector_store %arg7[%swap3A_579, %swap3A_580, %swap3A_581], %swap3A_584 {strides = array<i32>} : memref<2x200x64xf32, #tpu.memory_space<vmem>>, vector<1x1x16xf32>,
      }
      %scan3A_328 = arith.constant 200 : i32
      %mul3A_329 = arith.constant 128 : i32
      %mul3A_330 = arith.muli %add3A, %mul3A_329 : i32
      %add3A_331 = arith.addi %mul3A_330, %add3A_215 : i32
      %mul3A_332 = arith.constant 200 : i32
      %mul3A_333 = arith.muli %add3A_331, %mul3A_332 : i32
      %dma_start3A_334 = arith.constant 0 : i32
      %dma_start3A_335 = arith.constant 0 : i32
      %dma_start3A_336 = arith.constant 0 : i32
      %dma_start3A_337 = arith.constant 0 : i32
      %dma_start3A_338 = tpu.memref_slice %arg7[%dma_start3A_334, %dma_start3A_336, %dma_start3A_337] : memref<2x200x64xf32, #tpu.memory_space<vmem>> -> memref<1x200x64xf32, #tpu.memory_space<vmem>>
      %dma_start3A_339 = tpu.memref_squeeze %dma_start3A_338 : memref<1x200x64xf32, #tpu.memory_space<vmem>> -> memref<200x64xf32, #tpu.memory_space<vmem>>
      %dma_start3A_340 = arith.constant 0 : i32
      %dma_start3A_341 = tpu.memref_slice %arg4[%mul3A_333, %dma_start3A_340] : memref<819200x64xf32, #tpu.memory_space<hbm>> -> memref<200x64xf32, #tpu.memory_space<hbm>>
      %dma_start3A_342 = tpu.memref_slice %arg10[%dma_start3A_335] : memref<2x!tpu.dma_semaphore, #tpu.memory_space<semaphore_mem>> -> memref<1x!tpu.dma_semaphore, #tpu.memory_space<semaphore_mem>>
      %dma_start3A_343 = tpu.memref_squeeze %dma_start3A_342 : memref<1x!tpu.dma_semaphore, #tpu.memory_space<semaphore_mem>> -> memref<!tpu.dma_semaphore, #tpu.memory_space<semaphore_mem>>
      %dma_start3A_344 = arith.constant 0 : i32
      %dma_start3A_345 = tpu.memref_slice %arg4[%mul3A_333, %dma_start3A_344] : memref<819200x64xf32, #tpu.memory_space<hbm>> -> memref<200x64xf32, #tpu.memory_space<hbm>>
      %dma_start3A_346 = arith.constant 0 : i32
      %dma_start3A_347 = arith.constant 0 : i32
      %dma_start3A_348 = tpu.memref_slice %arg7[%dma_start3A_334, %dma_start3A_346, %dma_start3A_347] : memref<2x200x64xf32, #tpu.memory_space<vmem>> -> memref<1x200x64xf32, #tpu.memory_space<vmem>>
      %dma_start3A_349 = tpu.memref_squeeze %dma_start3A_348 : memref<1x200x64xf32, #tpu.memory_space<vmem>> -> memref<200x64xf32, #tpu.memory_space<vmem>>
      tpu.enqueue_dma source(%dma_start3A_349 : memref<200x64xf32, #tpu.memory_space<vmem>>) target(%dma_start3A_345 : memref<200x64xf32, #tpu.memory_space<hbm>>) target_semaphore(%dma_start3A_343 : memref<!tpu.dma_semaphore, #tpu.memory_space<semaphore_mem>>)
      %mul3A_350 = arith.constant 128 : i32
      %mul3A_351 = arith.muli %add3A, %mul3A_350 : i32
      %add3A_352 = arith.addi %mul3A_351, %min3A_222 : i32
      %dma_start3A_353 = arith.constant 0 : i32
      %dma_start3A_354 = arith.constant 0 : i32
      %dma_start3A_355 = arith.constant 0 : i32
      %dma_start3A_356 = tpu.memref_slice %arg5[%dma_start3A_353, %dma_start3A_355] : memref<2x200xi32, #tpu.memory_space<vmem>> -> memref<1x200xi32, #tpu.memory_space<vmem>>
      %dma_start3A_357 = tpu.memref_squeeze %dma_start3A_356 : memref<1x200xi32, #tpu.memory_space<vmem>> -> memref<200xi32, #tpu.memory_space<vmem>>
      %dma_start3A_358 = arith.constant 0 : i32
      %dma_start3A_359 = tpu.memref_slice %arg3[%add3A_352, %dma_start3A_358] : memref<4096x200xi32, #tpu.memory_space<hbm>> -> memref<1x200xi32, #tpu.memory_space<hbm>>
      %dma_start3A_360 = tpu.memref_squeeze %dma_start3A_359 : memref<1x200xi32, #tpu.memory_space<hbm>> -> memref<200xi32, #tpu.memory_space<hbm>>
      %dma_start3A_361 = tpu.memref_slice %arg8[%dma_start3A_354] : memref<2x!tpu.dma_semaphore, #tpu.memory_space<semaphore_mem>> -> memref<1x!tpu.dma_semaphore, #tpu.memory_space<semaphore_mem>>
      %dma_start3A_362 = tpu.memref_squeeze %dma_start3A_361 : memref<1x!tpu.dma_semaphore, #tpu.memory_space<semaphore_mem>> -> memref<!tpu.dma_semaphore, #tpu.memory_space<semaphore_mem>>
      %dma_start3A_363 = arith.constant 0 : i32
      %dma_start3A_364 = tpu.memref_slice %arg5[%dma_start3A_353, %dma_start3A_363] : memref<2x200xi32, #tpu.memory_space<vmem>> -> memref<1x200xi32, #tpu.memory_space<vmem>>
      %dma_start3A_365 = tpu.memref_squeeze %dma_start3A_364 : memref<1x200xi32, #tpu.memory_space<vmem>> -> memref<200xi32, #tpu.memory_space<vmem>>
      %dma_start3A_366 = arith.constant 0 : i32
      %dma_start3A_367 = tpu.memref_slice %arg3[%add3A_352, %dma_start3A_366] : memref<4096x200xi32, #tpu.memory_space<hbm>> -> memref<1x200xi32, #tpu.memory_space<hbm>>
      %dma_start3A_368 = tpu.memref_squeeze %dma_start3A_367 : memref<1x200xi32, #tpu.memory_space<hbm>> -> memref<200xi32, #tpu.memory_space<hbm>>
      tpu.enqueue_dma source(%dma_start3A_368 : memref<200xi32, #tpu.memory_space<hbm>>) target(%dma_start3A_365 : memref<200xi32, #tpu.memory_space<vmem>>) target_semaphore(%dma_start3A_362 : memref<!tpu.dma_semaphore, #tpu.memory_space<semaphore_mem>>)
      %mul3A_369 = arith.constant 2 : i32
      %mul3A_370 = arith.muli %mul3A_369, %add3A_211 : i32
      %add3A_371 = arith.constant 1 : i32
      %add3A_372 = arith.addi %mul3A_370, %add3A_371 : i32
      %add3A_373 = arith.constant 1 : i32
      %add3A_374 = arith.addi %add3A_372, %add3A_373 : i32
      %min3A_375 = arith.constant 127 : i32
      %min3A_376 = arith.minsi %add3A_374, %min3A_375 : i32
      %add3A_377 = arith.constant 2 : i32
      %add3A_378 = arith.addi %add3A_372, %add3A_377 : i32
      %min3A_379 = arith.constant 127 : i32
      %min3A_380 = arith.minsi %add3A_378, %min3A_379 : i32
      %dma_wait3A_381 = arith.constant 1 : i32
      %dma_wait3A_382 = arith.constant 1 : i32
      %dma_wait3A_383 = arith.constant 1 : i32
      %dma_wait3A_384 = arith.constant 0 : i32
      %dma_wait3A_385 = arith.constant 0 : i32
      %dma_wait3A_386 = tpu.memref_slice %arg6[%dma_wait3A_382, %dma_wait3A_384, %dma_wait3A_385] : memref<2x200x128xf32, #tpu.memory_space<vmem>> -> memref<1x200x128xf32, #tpu.memory_space<vmem>>
      %dma_wait3A_387 = tpu.memref_squeeze %dma_wait3A_386 : memref<1x200x128xf32, #tpu.memory_space<vmem>> -> memref<200x128xf32, #tpu.memory_space<vmem>>
      %dma_wait3A_388 = arith.constant 0 : i32
      %dma_wait3A_389 = arith.constant 0 : i32
      %dma_wait3A_390 = tpu.memref_slice %dma_wait3A_387[%dma_wait3A_388, %dma_wait3A_389] : memref<200x128xf32, #tpu.memory_space<vmem>> -> memref<128x128xf32, #tpu.memory_space<vmem>>
      %dma_wait3A_391 = arith.constant 0 : i32
      %dma_wait3A_392 = tpu.memref_slice %arg5[%dma_wait3A_381, %dma_wait3A_391] : memref<2x200xi32, #tpu.memory_space<vmem>> -> memref<1x200xi32, #tpu.memory_space<vmem>>
      %dma_wait3A_393 = tpu.memref_squeeze %dma_wait3A_392 : memref<1x200xi32, #tpu.memory_space<vmem>> -> memref<200xi32, #tpu.memory_space<vmem>>
      %dma_wait3A_394 = arith.constant 0 : i32
      %dma_wait3A_395 = tpu.memref_slice %dma_wait3A_393[%dma_wait3A_394] : memref<200xi32, #tpu.memory_space<vmem>> -> memref<128xi32, #tpu.memory_space<vmem>>
      %dma_wait3A_396 = arith.constant 0 : i32
      %dma_wait3A_397 = arith.constant 0 : i32
      %dma_wait3A_398 = tpu.memref_slice %arg2[%dma_wait3A_396, %dma_wait3A_397] : memref<1000000x128xf32, #tpu.memory_space<hbm>> -> memref<1000000x128xf32, #tpu.memory_space<hbm>>
      %dma_wait3A_399 = tpu.memref_slice %arg9[%dma_wait3A_383] : memref<2x!tpu.dma_semaphore, #tpu.memory_space<semaphore_mem>> -> memref<1x!tpu.dma_semaphore, #tpu.memory_space<semaphore_mem>>
      %dma_wait3A_400 = tpu.memref_squeeze %dma_wait3A_399 : memref<1x!tpu.dma_semaphore, #tpu.memory_space<semaphore_mem>> -> memref<!tpu.dma_semaphore, #tpu.memory_space<semaphore_mem>>
      tpu.wait_indirect_dma semaphore(%dma_wait3A_400 : memref<!tpu.dma_semaphore, #tpu.memory_space<semaphore_mem>>) src(%dma_wait3A_398 : memref<1000000x128xf32, #tpu.memory_space<hbm>>) dst(%dma_wait3A_390 : memref<128x128xf32, #tpu.memory_space<vmem>>)
      %dma_wait3A_401 = arith.constant 1 : i32
      %dma_wait3A_402 = arith.constant 1 : i32
      %dma_wait3A_403 = arith.constant 1 : i32
      %dma_wait3A_404 = arith.constant 0 : i32
      %dma_wait3A_405 = arith.constant 0 : i32
      %dma_wait3A_406 = tpu.memref_slice %arg6[%dma_wait3A_402, %dma_wait3A_404, %dma_wait3A_405] : memref<2x200x128xf32, #tpu.memory_space<vmem>> -> memref<1x200x128xf32, #tpu.memory_space<vmem>>
      %dma_wait3A_407 = tpu.memref_squeeze %dma_wait3A_406 : memref<1x200x128xf32, #tpu.memory_space<vmem>> -> memref<200x128xf32, #tpu.memory_space<vmem>>
      %dma_wait3A_408 = arith.constant 128 : i32
      %dma_wait3A_409 = arith.constant 0 : i32
      %dma_wait3A_410 = tpu.memref_slice %dma_wait3A_407[%dma_wait3A_408, %dma_wait3A_409] : memref<200x128xf32, #tpu.memory_space<vmem>> -> memref<72x128xf32, #tpu.memory_space<vmem>>
      %dma_wait3A_411 = arith.constant 0 : i32
      %dma_wait3A_412 = tpu.memref_slice %arg5[%dma_wait3A_401, %dma_wait3A_411] : memref<2x200xi32, #tpu.memory_space<vmem>> -> memref<1x200xi32, #tpu.memory_space<vmem>>
      %dma_wait3A_413 = tpu.memref_squeeze %dma_wait3A_412 : memref<1x200xi32, #tpu.memory_space<vmem>> -> memref<200xi32, #tpu.memory_space<vmem>>
      %dma_wait3A_414 = arith.constant 128 : i32
      %dma_wait3A_415 = tpu.memref_slice %dma_wait3A_413[%dma_wait3A_414] : memref<200xi32, #tpu.memory_space<vmem>> -> memref<72xi32, #tpu.memory_space<vmem>>
      %dma_wait3A_416 = arith.constant 0 : i32
      %dma_wait3A_417 = arith.constant 0 : i32
      %dma_wait3A_418 = tpu.memref_slice %arg2[%dma_wait3A_416, %dma_wait3A_417] : memref<1000000x128xf32, #tpu.memory_space<hbm>> -> memref<1000000x128xf32, #tpu.memory_space<hbm>>
      %dma_wait3A_419 = tpu.memref_slice %arg9[%dma_wait3A_403] : memref<2x!tpu.dma_semaphore, #tpu.memory_space<semaphore_mem>> -> memref<1x!tpu.dma_semaphore, #tpu.memory_space<semaphore_mem>>
      %dma_wait3A_420 = tpu.memref_squeeze %dma_wait3A_419 : memref<1x!tpu.dma_semaphore, #tpu.memory_space<semaphore_mem>> -> memref<!tpu.dma_semaphore, #tpu.memory_space<semaphore_mem>>
      tpu.wait_indirect_dma semaphore(%dma_wait3A_420 : memref<!tpu.dma_semaphore, #tpu.memory_space<semaphore_mem>>) src(%dma_wait3A_418 : memref<1000000x128xf32, #tpu.memory_space<hbm>>) dst(%dma_wait3A_410 : memref<72x128xf32, #tpu.memory_space<vmem>>)
      %mul3A_421 = arith.constant 128 : i32
      %mul3A_422 = arith.muli %add3A, %mul3A_421 : i32
      %add3A_423 = arith.addi %mul3A_422, %min3A_376 : i32
      %dma_wait3A_424 = arith.constant 0 : i32
      %dma_wait3A_425 = arith.constant 0 : i32
      %dma_wait3A_426 = arith.constant 0 : i32
      %dma_wait3A_427 = tpu.memref_slice %arg5[%dma_wait3A_424, %dma_wait3A_426] : memref<2x200xi32, #tpu.memory_space<vmem>> -> memref<1x200xi32, #tpu.memory_space<vmem>>
      %dma_wait3A_428 = tpu.memref_squeeze %dma_wait3A_427 : memref<1x200xi32, #tpu.memory_space<vmem>> -> memref<200xi32, #tpu.memory_space<vmem>>
      %dma_wait3A_429 = arith.constant 0 : i32
      %dma_wait3A_430 = tpu.memref_slice %arg3[%add3A_423, %dma_wait3A_429] : memref<4096x200xi32, #tpu.memory_space<hbm>> -> memref<1x200xi32, #tpu.memory_space<hbm>>
      %dma_wait3A_431 = tpu.memref_squeeze %dma_wait3A_430 : memref<1x200xi32, #tpu.memory_space<hbm>> -> memref<200xi32, #tpu.memory_space<hbm>>
      %dma_wait3A_432 = tpu.memref_slice %arg8[%dma_wait3A_425] : memref<2x!tpu.dma_semaphore, #tpu.memory_space<semaphore_mem>> -> memref<1x!tpu.dma_semaphore, #tpu.memory_space<semaphore_mem>>
      %dma_wait3A_433 = tpu.memref_squeeze %dma_wait3A_432 : memref<1x!tpu.dma_semaphore, #tpu.memory_space<semaphore_mem>> -> memref<!tpu.dma_semaphore, #tpu.memory_space<semaphore_mem>>
      %dma_wait3A_434 = arith.constant 0 : i32
      %dma_wait3A_435 = tpu.memref_slice %arg5[%dma_wait3A_424, %dma_wait3A_434] : memref<2x200xi32, #tpu.memory_space<vmem>> -> memref<1x200xi32, #tpu.memory_space<vmem>>
      %dma_wait3A_436 = tpu.memref_squeeze %dma_wait3A_435 : memref<1x200xi32, #tpu.memory_space<vmem>> -> memref<200xi32, #tpu.memory_space<vmem>>
      %dma_wait3A_437 = arith.constant 0 : i32
      %dma_wait3A_438 = tpu.memref_slice %arg3[%add3A_423, %dma_wait3A_437] : memref<4096x200xi32, #tpu.memory_space<hbm>> -> memref<1x200xi32, #tpu.memory_space<hbm>>
      %dma_wait3A_439 = tpu.memref_squeeze %dma_wait3A_438 : memref<1x200xi32, #tpu.memory_space<hbm>> -> memref<200xi32, #tpu.memory_space<hbm>>
      tpu.wait_dma2 semaphore(%dma_wait3A_433 : memref<!tpu.dma_semaphore, #tpu.memory_space<semaphore_mem>>) src(%dma_wait3A_439 : memref<200xi32, #tpu.memory_space<hbm>>) dst(%dma_wait3A_436 : memref<200xi32, #tpu.memory_space<vmem>>)
      %dma_start3A_440 = arith.constant 0 : i32
      %dma_start3A_441 = arith.constant 0 : i32
      %dma_start3A_442 = arith.constant 0 : i32
      %dma_start3A_443 = arith.constant 0 : i32
      %dma_start3A_444 = arith.constant 0 : i32
      %dma_start3A_445 = tpu.memref_slice %arg6[%dma_start3A_441, %dma_start3A_443, %dma_start3A_444] : memref<2x200x128xf32, #tpu.memory_space<vmem>> -> memref<1x200x128xf32, #tpu.memory_space<vmem>>
      %dma_start3A_446 = tpu.memref_squeeze %dma_start3A_445 : memref<1x200x128xf32, #tpu.memory_space<vmem>> -> memref<200x128xf32, #tpu.memory_space<vmem>>
      %dma_start3A_447 = arith.constant 0 : i32
      %dma_start3A_448 = arith.constant 0 : i32
      %dma_start3A_449 = tpu.memref_slice %dma_start3A_446[%dma_start3A_447, %dma_start3A_448] : memref<200x128xf32, #tpu.memory_space<vmem>> -> memref<128x128xf32, #tpu.memory_space<vmem>>
      %dma_start3A_450 = arith.constant 0 : i32
      %dma_start3A_451 = tpu.memref_slice %arg5[%dma_start3A_440, %dma_start3A_450] : memref<2x200xi32, #tpu.memory_space<vmem>> -> memref<1x200xi32, #tpu.memory_space<vmem>>
      %dma_start3A_452 = tpu.memref_squeeze %dma_start3A_451 : memref<1x200xi32, #tpu.memory_space<vmem>> -> memref<200xi32, #tpu.memory_space<vmem>>
      %dma_start3A_453 = arith.constant 0 : i32
      %dma_start3A_454 = tpu.memref_slice %dma_start3A_452[%dma_start3A_453] : memref<200xi32, #tpu.memory_space<vmem>> -> memref<128xi32, #tpu.memory_space<vmem>>
      %dma_start3A_455 = arith.constant 0 : i32
      %dma_start3A_456 = arith.constant 0 : i32
      %dma_start3A_457 = tpu.memref_slice %arg2[%dma_start3A_455, %dma_start3A_456] : memref<1000000x128xf32, #tpu.memory_space<hbm>> -> memref<1000000x128xf32, #tpu.memory_space<hbm>>
      %dma_start3A_458 = tpu.memref_slice %arg9[%dma_start3A_442] : memref<2x!tpu.dma_semaphore, #tpu.memory_space<semaphore_mem>> -> memref<1x!tpu.dma_semaphore, #tpu.memory_space<semaphore_mem>>
      %dma_start3A_459 = tpu.memref_squeeze %dma_start3A_458 : memref<1x!tpu.dma_semaphore, #tpu.memory_space<semaphore_mem>> -> memref<!tpu.dma_semaphore, #tpu.memory_space<semaphore_mem>>
      tpu.enqueue_indirect_dma source(%dma_start3A_457 : memref<1000000x128xf32, #tpu.memory_space<hbm>>) target(%dma_start3A_449 : memref<128x128xf32, #tpu.memory_space<vmem>>) offsets(%dma_start3A_454 : memref<128xi32, #tpu.memory_space<vmem>>) semaphore(%dma_start3A_459 : memref<!tpu.dma_semaphore, #tpu.memory_space<semaphore_mem>>)
      %dma_start3A_460 = arith.constant 0 : i32
      %dma_start3A_461 = arith.constant 0 : i32
      %dma_start3A_462 = arith.constant 0 : i32
      %dma_start3A_463 = arith.constant 0 : i32
      %dma_start3A_464 = arith.constant 0 : i32
      %dma_start3A_465 = tpu.memref_slice %arg6[%dma_start3A_461, %dma_start3A_463, %dma_start3A_464] : memref<2x200x128xf32, #tpu.memory_space<vmem>> -> memref<1x200x128xf32, #tpu.memory_space<vmem>>
      %dma_start3A_466 = tpu.memref_squeeze %dma_start3A_465 : memref<1x200x128xf32, #tpu.memory_space<vmem>> -> memref<200x128xf32, #tpu.memory_space<vmem>>
      %dma_start3A_467 = arith.constant 128 : i32
      %dma_start3A_468 = arith.constant 0 : i32
      %dma_start3A_469 = tpu.memref_slice %dma_start3A_466[%dma_start3A_467, %dma_start3A_468] : memref<200x128xf32, #tpu.memory_space<vmem>> -> memref<72x128xf32, #tpu.memory_space<vmem>>
      %dma_start3A_470 = arith.constant 0 : i32
      %dma_start3A_471 = tpu.memref_slice %arg5[%dma_start3A_460, %dma_start3A_470] : memref<2x200xi32, #tpu.memory_space<vmem>> -> memref<1x200xi32, #tpu.memory_space<vmem>>
      %dma_start3A_472 = tpu.memref_squeeze %dma_start3A_471 : memref<1x200xi32, #tpu.memory_space<vmem>> -> memref<200xi32, #tpu.memory_space<vmem>>
      %dma_start3A_473 = arith.constant 128 : i32
      %dma_start3A_474 = tpu.memref_slice %dma_start3A_472[%dma_start3A_473] : memref<200xi32, #tpu.memory_space<vmem>> -> memref<72xi32, #tpu.memory_space<vmem>>
      %dma_start3A_475 = arith.constant 0 : i32
      %dma_start3A_476 = arith.constant 0 : i32
      %dma_start3A_477 = tpu.memref_slice %arg2[%dma_start3A_475, %dma_start3A_476] : memref<1000000x128xf32, #tpu.memory_space<hbm>> -> memref<1000000x128xf32, #tpu.memory_space<hbm>>
      %dma_start3A_478 = tpu.memref_slice %arg9[%dma_start3A_462] : memref<2x!tpu.dma_semaphore, #tpu.memory_space<semaphore_mem>> -> memref<1x!tpu.dma_semaphore, #tpu.memory_space<semaphore_mem>>
      %dma_start3A_479 = tpu.memref_squeeze %dma_start3A_478 : memref<1x!tpu.dma_semaphore, #tpu.memory_space<semaphore_mem>> -> memref<!tpu.dma_semaphore, #tpu.memory_space<semaphore_mem>>
      tpu.enqueue_indirect_dma source(%dma_start3A_477 : memref<1000000x128xf32, #tpu.memory_space<hbm>>) target(%dma_start3A_469 : memref<72x128xf32, #tpu.memory_space<vmem>>) offsets(%dma_start3A_474 : memref<72xi32, #tpu.memory_space<vmem>>) semaphore(%dma_start3A_479 : memref<!tpu.dma_semaphore, #tpu.memory_space<semaphore_mem>>)
      %ge3A_480 = arith.constant 2 : i32
      %ge3A_481 = arith.cmpi sge, %add3A_372, %ge3A_480 : i32
      %convert_element_type3A_482 = arith.extui %ge3A_481 : i1 to i32
      %cond3A_483 = arith.constant 0 : i32
      %cond3A_484 = arith.cmpi ne, %convert_element_type3A_482, %cond3A_483 : i32
      scf.if %cond3A_484 {
        %sub3A = arith.constant 2 : i32
        %sub3A_530 = arith.subi %add3A_372, %sub3A : i32
        %mul3A_531 = arith.constant 128 : i32
        %mul3A_532 = arith.muli %add3A, %mul3A_531 : i32
        %add3A_533 = arith.addi %mul3A_532, %sub3A_530 : i32
        %mul3A_534 = arith.constant 200 : i32
        %mul3A_535 = arith.muli %add3A_533, %mul3A_534 : i32
        %dma_wait3A_536 = arith.constant 1 : i32
        %dma_wait3A_537 = arith.constant 1 : i32
        %dma_wait3A_538 = arith.constant 0 : i32
        %dma_wait3A_539 = arith.constant 0 : i32
        %dma_wait3A_540 = tpu.memref_slice %arg7[%dma_wait3A_536, %dma_wait3A_538, %dma_wait3A_539] : memref<2x200x64xf32, #tpu.memory_space<vmem>> -> memref<1x200x64xf32, #tpu.memory_space<vmem>>
        %dma_wait3A_541 = tpu.memref_squeeze %dma_wait3A_540 : memref<1x200x64xf32, #tpu.memory_space<vmem>> -> memref<200x64xf32, #tpu.memory_space<vmem>>
        %dma_wait3A_542 = arith.constant 0 : i32
        %dma_wait3A_543 = tpu.memref_slice %arg4[%mul3A_535, %dma_wait3A_542] : memref<819200x64xf32, #tpu.memory_space<hbm>> -> memref<200x64xf32, #tpu.memory_space<hbm>>
        %dma_wait3A_544 = tpu.memref_slice %arg10[%dma_wait3A_537] : memref<2x!tpu.dma_semaphore, #tpu.memory_space<semaphore_mem>> -> memref<1x!tpu.dma_semaphore, #tpu.memory_space<semaphore_mem>>
        %dma_wait3A_545 = tpu.memref_squeeze %dma_wait3A_544 : memref<1x!tpu.dma_semaphore, #tpu.memory_space<semaphore_mem>> -> memref<!tpu.dma_semaphore, #tpu.memory_space<semaphore_mem>>
        %dma_wait3A_546 = arith.constant 0 : i32
        %dma_wait3A_547 = tpu.memref_slice %arg4[%mul3A_535, %dma_wait3A_546] : memref<819200x64xf32, #tpu.memory_space<hbm>> -> memref<200x64xf32, #tpu.memory_space<hbm>>
        %dma_wait3A_548 = arith.constant 0 : i32
        %dma_wait3A_549 = arith.constant 0 : i32
        %dma_wait3A_550 = tpu.memref_slice %arg7[%dma_wait3A_536, %dma_wait3A_548, %dma_wait3A_549] : memref<2x200x64xf32, #tpu.memory_space<vmem>> -> memref<1x200x64xf32, #tpu.memory_space<vmem>>
        %dma_wait3A_551 = tpu.memref_squeeze %dma_wait3A_550 : memref<1x200x64xf32, #tpu.memory_space<vmem>> -> memref<200x64xf32, #tpu.memory_space<vmem>>
        tpu.wait_dma2 semaphore(%dma_wait3A_545 : memref<!tpu.dma_semaphore, #tpu.memory_space<semaphore_mem>>) src(%dma_wait3A_551 : memref<200x64xf32, #tpu.memory_space<vmem>>) dst(%dma_wait3A_547 : memref<200x64xf32, #tpu.memory_space<hbm>>)
      } else {
      }
      %scan3A_485 = arith.constant 0 : i32
      %scan3A_486 = arith.constant 200 : i32
      %scan3A_487 = arith.addi %scan3A_485, %scan3A_486 : i32
      %scan3A_488 = arith.constant 1 : i32
      scf.for %scan3A_530 = %scan3A_485 to %scan3A_487 step %scan3A_488  : i32 {
        %mul3A_531 = arith.constant 1 : i32
        %mul3A_532 = arith.muli %scan3A_530, %mul3A_531 : i32
        %add3A_533 = arith.constant 0 : i32
        %add3A_534 = arith.addi %add3A_533, %mul3A_532 : i32
        %get3A = arith.constant 1 : i32
        %get3A_535 = arith.index_cast %get3A : i32 to index
        %get3A_536 = arith.index_cast %add3A_534 : i32 to index
        %get3A_537 = arith.constant 0 : index
        %get3A_538 = tpu.vector_load %arg6[%get3A_535, %get3A_536, %get3A_537] {strides = array<i32>} : memref<2x200x128xf32, #tpu.memory_space<vmem>>, vector<1x1x16xf32>,
        %get3A_539 = vector.shape_cast %get3A_538 : vector<1x1x16xf32> to vector<16xf32>
        %swap3A = arith.constant 1 : i32
        %swap3A_540 = arith.index_cast %swap3A : i32 to index
        %swap3A_541 = arith.index_cast %add3A_534 : i32 to index
        %swap3A_542 = arith.constant 0 : index
        %swap3A_543 = tpu.vector_load %arg7[%swap3A_540, %swap3A_541, %swap3A_542] {strides = array<i32>} : memref<2x200x64xf32, #tpu.memory_space<vmem>>, vector<1x1x16xf32>,
        %swap3A_544 = vector.shape_cast %swap3A_543 : vector<1x1x16xf32> to vector<16xf32>
        %swap3A_545 = vector.shape_cast %get3A_539 : vector<16xf32> to vector<1x1x16xf32>
        tpu.vector_store %arg7[%swap3A_540, %swap3A_541, %swap3A_542], %swap3A_545 {strides = array<i32>} : memref<2x200x64xf32, #tpu.memory_space<vmem>>, vector<1x1x16xf32>,
        %get3A_546 = arith.constant 1 : i32
        %get3A_547 = arith.index_cast %get3A_546 : i32 to index
        %get3A_548 = arith.index_cast %add3A_534 : i32 to index
        %get3A_549 = arith.constant 16 : index
        %get3A_550 = tpu.vector_load %arg6[%get3A_547, %get3A_548, %get3A_549] {strides = array<i32>} : memref<2x200x128xf32, #tpu.memory_space<vmem>>, vector<1x1x16xf32>,
        %get3A_551 = vector.shape_cast %get3A_550 : vector<1x1x16xf32> to vector<16xf32>
        %swap3A_552 = arith.constant 1 : i32
        %swap3A_553 = arith.index_cast %swap3A_552 : i32 to index
        %swap3A_554 = arith.index_cast %add3A_534 : i32 to index
        %swap3A_555 = arith.constant 16 : index
        %swap3A_556 = tpu.vector_load %arg7[%swap3A_553, %swap3A_554, %swap3A_555] {strides = array<i32>} : memref<2x200x64xf32, #tpu.memory_space<vmem>>, vector<1x1x16xf32>,
        %swap3A_557 = vector.shape_cast %swap3A_556 : vector<1x1x16xf32> to vector<16xf32>
        %swap3A_558 = vector.shape_cast %get3A_551 : vector<16xf32> to vector<1x1x16xf32>
        tpu.vector_store %arg7[%swap3A_553, %swap3A_554, %swap3A_555], %swap3A_558 {strides = array<i32>} : memref<2x200x64xf32, #tpu.memory_space<vmem>>, vector<1x1x16xf32>,
        %get3A_559 = arith.constant 1 : i32
        %get3A_560 = arith.index_cast %get3A_559 : i32 to index
        %get3A_561 = arith.index_cast %add3A_534 : i32 to index
        %get3A_562 = arith.constant 32 : index
        %get3A_563 = tpu.vector_load %arg6[%get3A_560, %get3A_561, %get3A_562] {strides = array<i32>} : memref<2x200x128xf32, #tpu.memory_space<vmem>>, vector<1x1x16xf32>,
        %get3A_564 = vector.shape_cast %get3A_563 : vector<1x1x16xf32> to vector<16xf32>
        %swap3A_565 = arith.constant 1 : i32
        %swap3A_566 = arith.index_cast %swap3A_565 : i32 to index
        %swap3A_567 = arith.index_cast %add3A_534 : i32 to index
        %swap3A_568 = arith.constant 32 : index
        %swap3A_569 = tpu.vector_load %arg7[%swap3A_566, %swap3A_567, %swap3A_568] {strides = array<i32>} : memref<2x200x64xf32, #tpu.memory_space<vmem>>, vector<1x1x16xf32>,
        %swap3A_570 = vector.shape_cast %swap3A_569 : vector<1x1x16xf32> to vector<16xf32>
        %swap3A_571 = vector.shape_cast %get3A_564 : vector<16xf32> to vector<1x1x16xf32>
        tpu.vector_store %arg7[%swap3A_566, %swap3A_567, %swap3A_568], %swap3A_571 {strides = array<i32>} : memref<2x200x64xf32, #tpu.memory_space<vmem>>, vector<1x1x16xf32>,
        %get3A_572 = arith.constant 1 : i32
        %get3A_573 = arith.index_cast %get3A_572 : i32 to index
        %get3A_574 = arith.index_cast %add3A_534 : i32 to index
        %get3A_575 = arith.constant 48 : index
        %get3A_576 = tpu.vector_load %arg6[%get3A_573, %get3A_574, %get3A_575] {strides = array<i32>} : memref<2x200x128xf32, #tpu.memory_space<vmem>>, vector<1x1x16xf32>,
        %get3A_577 = vector.shape_cast %get3A_576 : vector<1x1x16xf32> to vector<16xf32>
        %swap3A_578 = arith.constant 1 : i32
        %swap3A_579 = arith.index_cast %swap3A_578 : i32 to index
        %swap3A_580 = arith.index_cast %add3A_534 : i32 to index
        %swap3A_581 = arith.constant 48 : index
        %swap3A_582 = tpu.vector_load %arg7[%swap3A_579, %swap3A_580, %swap3A_581] {strides = array<i32>} : memref<2x200x64xf32, #tpu.memory_space<vmem>>, vector<1x1x16xf32>,
        %swap3A_583 = vector.shape_cast %swap3A_582 : vector<1x1x16xf32> to vector<16xf32>
        %swap3A_584 = vector.shape_cast %get3A_577 : vector<16xf32> to vector<1x1x16xf32>
        tpu.vector_store %arg7[%swap3A_579, %swap3A_580, %swap3A_581], %swap3A_584 {strides = array<i32>} : memref<2x200x64xf32, #tpu.memory_space<vmem>>, vector<1x1x16xf32>,
      }
      %scan3A_489 = arith.constant 200 : i32
      %mul3A_490 = arith.constant 128 : i32
      %mul3A_491 = arith.muli %add3A, %mul3A_490 : i32
      %add3A_492 = arith.addi %mul3A_491, %add3A_372 : i32
      %mul3A_493 = arith.constant 200 : i32
      %mul3A_494 = arith.muli %add3A_492, %mul3A_493 : i32
      %dma_start3A_495 = arith.constant 1 : i32
      %dma_start3A_496 = arith.constant 1 : i32
      %dma_start3A_497 = arith.constant 0 : i32
      %dma_start3A_498 = arith.constant 0 : i32
      %dma_start3A_499 = tpu.memref_slice %arg7[%dma_start3A_495, %dma_start3A_497, %dma_start3A_498] : memref<2x200x64xf32, #tpu.memory_space<vmem>> -> memref<1x200x64xf32, #tpu.memory_space<vmem>>
      %dma_start3A_500 = tpu.memref_squeeze %dma_start3A_499 : memref<1x200x64xf32, #tpu.memory_space<vmem>> -> memref<200x64xf32, #tpu.memory_space<vmem>>
      %dma_start3A_501 = arith.constant 0 : i32
      %dma_start3A_502 = tpu.memref_slice %arg4[%mul3A_494, %dma_start3A_501] : memref<819200x64xf32, #tpu.memory_space<hbm>> -> memref<200x64xf32, #tpu.memory_space<hbm>>
      %dma_start3A_503 = tpu.memref_slice %arg10[%dma_start3A_496] : memref<2x!tpu.dma_semaphore, #tpu.memory_space<semaphore_mem>> -> memref<1x!tpu.dma_semaphore, #tpu.memory_space<semaphore_mem>>
      %dma_start3A_504 = tpu.memref_squeeze %dma_start3A_503 : memref<1x!tpu.dma_semaphore, #tpu.memory_space<semaphore_mem>> -> memref<!tpu.dma_semaphore, #tpu.memory_space<semaphore_mem>>
      %dma_start3A_505 = arith.constant 0 : i32
      %dma_start3A_506 = tpu.memref_slice %arg4[%mul3A_494, %dma_start3A_505] : memref<819200x64xf32, #tpu.memory_space<hbm>> -> memref<200x64xf32, #tpu.memory_space<hbm>>
      %dma_start3A_507 = arith.constant 0 : i32
      %dma_start3A_508 = arith.constant 0 : i32
      %dma_start3A_509 = tpu.memref_slice %arg7[%dma_start3A_495, %dma_start3A_507, %dma_start3A_508] : memref<2x200x64xf32, #tpu.memory_space<vmem>> -> memref<1x200x64xf32, #tpu.memory_space<vmem>>
      %dma_start3A_510 = tpu.memref_squeeze %dma_start3A_509 : memref<1x200x64xf32, #tpu.memory_space<vmem>> -> memref<200x64xf32, #tpu.memory_space<vmem>>
      tpu.enqueue_dma source(%dma_start3A_510 : memref<200x64xf32, #tpu.memory_space<vmem>>) target(%dma_start3A_506 : memref<200x64xf32, #tpu.memory_space<hbm>>) target_semaphore(%dma_start3A_504 : memref<!tpu.dma_semaphore, #tpu.memory_space<semaphore_mem>>)
      %mul3A_511 = arith.constant 128 : i32
      %mul3A_512 = arith.muli %add3A, %mul3A_511 : i32
      %add3A_513 = arith.addi %mul3A_512, %min3A_380 : i32
      %dma_start3A_514 = arith.constant 1 : i32
      %dma_start3A_515 = arith.constant 1 : i32
      %dma_start3A_516 = arith.constant 0 : i32
      %dma_start3A_517 = tpu.memref_slice %arg5[%dma_start3A_514, %dma_start3A_516] : memref<2x200xi32, #tpu.memory_space<vmem>> -> memref<1x200xi32, #tpu.memory_space<vmem>>
      %dma_start3A_518 = tpu.memref_squeeze %dma_start3A_517 : memref<1x200xi32, #tpu.memory_space<vmem>> -> memref<200xi32, #tpu.memory_space<vmem>>
      %dma_start3A_519 = arith.constant 0 : i32
      %dma_start3A_520 = tpu.memref_slice %arg3[%add3A_513, %dma_start3A_519] : memref<4096x200xi32, #tpu.memory_space<hbm>> -> memref<1x200xi32, #tpu.memory_space<hbm>>
      %dma_start3A_521 = tpu.memref_squeeze %dma_start3A_520 : memref<1x200xi32, #tpu.memory_space<hbm>> -> memref<200xi32, #tpu.memory_space<hbm>>
      %dma_start3A_522 = tpu.memref_slice %arg8[%dma_start3A_515] : memref<2x!tpu.dma_semaphore, #tpu.memory_space<semaphore_mem>> -> memref<1x!tpu.dma_semaphore, #tpu.memory_space<semaphore_mem>>
      %dma_start3A_523 = tpu.memref_squeeze %dma_start3A_522 : memref<1x!tpu.dma_semaphore, #tpu.memory_space<semaphore_mem>> -> memref<!tpu.dma_semaphore, #tpu.memory_space<semaphore_mem>>
      %dma_start3A_524 = arith.constant 0 : i32
      %dma_start3A_525 = tpu.memref_slice %arg5[%dma_start3A_514, %dma_start3A_524] : memref<2x200xi32, #tpu.memory_space<vmem>> -> memref<1x200xi32, #tpu.memory_space<vmem>>
      %dma_start3A_526 = tpu.memref_squeeze %dma_start3A_525 : memref<1x200xi32, #tpu.memory_space<vmem>> -> memref<200xi32, #tpu.memory_space<vmem>>
      %dma_start3A_527 = arith.constant 0 : i32
      %dma_start3A_528 = tpu.memref_slice %arg3[%add3A_513, %dma_start3A_527] : memref<4096x200xi32, #tpu.memory_space<hbm>> -> memref<1x200xi32, #tpu.memory_space<hbm>>
      %dma_start3A_529 = tpu.memref_squeeze %dma_start3A_528 : memref<1x200xi32, #tpu.memory_space<hbm>> -> memref<200xi32, #tpu.memory_space<hbm>>
      tpu.enqueue_dma source(%dma_start3A_529 : memref<200xi32, #tpu.memory_space<hbm>>) target(%dma_start3A_526 : memref<200xi32, #tpu.memory_space<vmem>>) target_semaphore(%dma_start3A_523 : memref<!tpu.dma_semaphore, #tpu.memory_space<semaphore_mem>>)
    }
    %scan3A_102 = arith.constant 64 : i32
    %mul3A_103 = arith.constant 128 : i32
    %mul3A_104 = arith.muli %add3A, %mul3A_103 : i32
    %add3A_105 = arith.constant 126 : i32
    %add3A_106 = arith.addi %mul3A_104, %add3A_105 : i32
    %mul3A_107 = arith.constant 200 : i32
    %mul3A_108 = arith.muli %add3A_106, %mul3A_107 : i32
    %dma_wait3A_109 = arith.constant 0 : i32
    %dma_wait3A_110 = arith.constant 0 : i32
    %dma_wait3A_111 = arith.constant 0 : i32
    %dma_wait3A_112 = arith.constant 0 : i32
    %dma_wait3A_113 = tpu.memref_slice %arg7[%dma_wait3A_109, %dma_wait3A_111, %dma_wait3A_112] : memref<2x200x64xf32, #tpu.memory_space<vmem>> -> memref<1x200x64xf32, #tpu.memory_space<vmem>>
    %dma_wait3A_114 = tpu.memref_squeeze %dma_wait3A_113 : memref<1x200x64xf32, #tpu.memory_space<vmem>> -> memref<200x64xf32, #tpu.memory_space<vmem>>
    %dma_wait3A_115 = arith.constant 0 : i32
    %dma_wait3A_116 = tpu.memref_slice %arg4[%mul3A_108, %dma_wait3A_115] : memref<819200x64xf32, #tpu.memory_space<hbm>> -> memref<200x64xf32, #tpu.memory_space<hbm>>
    %dma_wait3A_117 = tpu.memref_slice %arg10[%dma_wait3A_110] : memref<2x!tpu.dma_semaphore, #tpu.memory_space<semaphore_mem>> -> memref<1x!tpu.dma_semaphore, #tpu.memory_space<semaphore_mem>>
    %dma_wait3A_118 = tpu.memref_squeeze %dma_wait3A_117 : memref<1x!tpu.dma_semaphore, #tpu.memory_space<semaphore_mem>> -> memref<!tpu.dma_semaphore, #tpu.memory_space<semaphore_mem>>
    %dma_wait3A_119 = arith.constant 0 : i32
    %dma_wait3A_120 = tpu.memref_slice %arg4[%mul3A_108, %dma_wait3A_119] : memref<819200x64xf32, #tpu.memory_space<hbm>> -> memref<200x64xf32, #tpu.memory_space<hbm>>
    %dma_wait3A_121 = arith.constant 0 : i32
    %dma_wait3A_122 = arith.constant 0 : i32
    %dma_wait3A_123 = tpu.memref_slice %arg7[%dma_wait3A_109, %dma_wait3A_121, %dma_wait3A_122] : memref<2x200x64xf32, #tpu.memory_space<vmem>> -> memref<1x200x64xf32, #tpu.memory_space<vmem>>
    %dma_wait3A_124 = tpu.memref_squeeze %dma_wait3A_123 : memref<1x200x64xf32, #tpu.memory_space<vmem>> -> memref<200x64xf32, #tpu.memory_space<vmem>>
    tpu.wait_dma2 semaphore(%dma_wait3A_118 : memref<!tpu.dma_semaphore, #tpu.memory_space<semaphore_mem>>) src(%dma_wait3A_124 : memref<200x64xf32, #tpu.memory_space<vmem>>) dst(%dma_wait3A_120 : memref<200x64xf32, #tpu.memory_space<hbm>>)
    %mul3A_125 = arith.constant 128 : i32
    %mul3A_126 = arith.muli %add3A, %mul3A_125 : i32
    %add3A_127 = arith.constant 127 : i32
    %add3A_128 = arith.addi %mul3A_126, %add3A_127 : i32
    %mul3A_129 = arith.constant 200 : i32
    %mul3A_130 = arith.muli %add3A_128, %mul3A_129 : i32
    %dma_wait3A_131 = arith.constant 1 : i32
    %dma_wait3A_132 = arith.constant 1 : i32
    %dma_wait3A_133 = arith.constant 0 : i32
    %dma_wait3A_134 = arith.constant 0 : i32
    %dma_wait3A_135 = tpu.memref_slice %arg7[%dma_wait3A_131, %dma_wait3A_133, %dma_wait3A_134] : memref<2x200x64xf32, #tpu.memory_space<vmem>> -> memref<1x200x64xf32, #tpu.memory_space<vmem>>
    %dma_wait3A_136 = tpu.memref_squeeze %dma_wait3A_135 : memref<1x200x64xf32, #tpu.memory_space<vmem>> -> memref<200x64xf32, #tpu.memory_space<vmem>>
    %dma_wait3A_137 = arith.constant 0 : i32
    %dma_wait3A_138 = tpu.memref_slice %arg4[%mul3A_130, %dma_wait3A_137] : memref<819200x64xf32, #tpu.memory_space<hbm>> -> memref<200x64xf32, #tpu.memory_space<hbm>>
    %dma_wait3A_139 = tpu.memref_slice %arg10[%dma_wait3A_132] : memref<2x!tpu.dma_semaphore, #tpu.memory_space<semaphore_mem>> -> memref<1x!tpu.dma_semaphore, #tpu.memory_space<semaphore_mem>>
    %dma_wait3A_140 = tpu.memref_squeeze %dma_wait3A_139 : memref<1x!tpu.dma_semaphore, #tpu.memory_space<semaphore_mem>> -> memref<!tpu.dma_semaphore, #tpu.memory_space<semaphore_mem>>
    %dma_wait3A_141 = arith.constant 0 : i32
    %dma_wait3A_142 = tpu.memref_slice %arg4[%mul3A_130, %dma_wait3A_141] : memref<819200x64xf32, #tpu.memory_space<hbm>> -> memref<200x64xf32, #tpu.memory_space<hbm>>
    %dma_wait3A_143 = arith.constant 0 : i32
    %dma_wait3A_144 = arith.constant 0 : i32
    %dma_wait3A_145 = tpu.memref_slice %arg7[%dma_wait3A_131, %dma_wait3A_143, %dma_wait3A_144] : memref<2x200x64xf32, #tpu.memory_space<vmem>> -> memref<1x200x64xf32, #tpu.memory_space<vmem>>
    %dma_wait3A_146 = tpu.memref_squeeze %dma_wait3A_145 : memref<1x200x64xf32, #tpu.memory_space<vmem>> -> memref<200x64xf32, #tpu.memory_space<vmem>>
    tpu.wait_dma2 semaphore(%dma_wait3A_140 : memref<!tpu.dma_semaphore, #tpu.memory_space<semaphore_mem>>) src(%dma_wait3A_146 : memref<200x64xf32, #tpu.memory_space<vmem>>) dst(%dma_wait3A_142 : memref<200x64xf32, #tpu.memory_space<hbm>>)
    %dma_wait3A_147 = arith.constant 0 : i32
    %dma_wait3A_148 = arith.constant 0 : i32
    %dma_wait3A_149 = arith.constant 0 : i32
    %dma_wait3A_150 = arith.constant 0 : i32
    %dma_wait3A_151 = arith.constant 0 : i32
    %dma_wait3A_152 = tpu.memref_slice %arg6[%dma_wait3A_148, %dma_wait3A_150, %dma_wait3A_151] : memref<2x200x128xf32, #tpu.memory_space<vmem>> -> memref<1x200x128xf32, #tpu.memory_space<vmem>>
    %dma_wait3A_153 = tpu.memref_squeeze %dma_wait3A_152 : memref<1x200x128xf32, #tpu.memory_space<vmem>> -> memref<200x128xf32, #tpu.memory_space<vmem>>
    %dma_wait3A_154 = arith.constant 0 : i32
    %dma_wait3A_155 = arith.constant 0 : i32
    %dma_wait3A_156 = tpu.memref_slice %dma_wait3A_153[%dma_wait3A_154, %dma_wait3A_155] : memref<200x128xf32, #tpu.memory_space<vmem>> -> memref<128x128xf32, #tpu.memory_space<vmem>>
    %dma_wait3A_157 = arith.constant 0 : i32
    %dma_wait3A_158 = tpu.memref_slice %arg5[%dma_wait3A_147, %dma_wait3A_157] : memref<2x200xi32, #tpu.memory_space<vmem>> -> memref<1x200xi32, #tpu.memory_space<vmem>>
    %dma_wait3A_159 = tpu.memref_squeeze %dma_wait3A_158 : memref<1x200xi32, #tpu.memory_space<vmem>> -> memref<200xi32, #tpu.memory_space<vmem>>
    %dma_wait3A_160 = arith.constant 0 : i32
    %dma_wait3A_161 = tpu.memref_slice %dma_wait3A_159[%dma_wait3A_160] : memref<200xi32, #tpu.memory_space<vmem>> -> memref<128xi32, #tpu.memory_space<vmem>>
    %dma_wait3A_162 = arith.constant 0 : i32
    %dma_wait3A_163 = arith.constant 0 : i32
    %dma_wait3A_164 = tpu.memref_slice %arg2[%dma_wait3A_162, %dma_wait3A_163] : memref<1000000x128xf32, #tpu.memory_space<hbm>> -> memref<1000000x128xf32, #tpu.memory_space<hbm>>
    %dma_wait3A_165 = tpu.memref_slice %arg9[%dma_wait3A_149] : memref<2x!tpu.dma_semaphore, #tpu.memory_space<semaphore_mem>> -> memref<1x!tpu.dma_semaphore, #tpu.memory_space<semaphore_mem>>
    %dma_wait3A_166 = tpu.memref_squeeze %dma_wait3A_165 : memref<1x!tpu.dma_semaphore, #tpu.memory_space<semaphore_mem>> -> memref<!tpu.dma_semaphore, #tpu.memory_space<semaphore_mem>>
    tpu.wait_indirect_dma semaphore(%dma_wait3A_166 : memref<!tpu.dma_semaphore, #tpu.memory_space<semaphore_mem>>) src(%dma_wait3A_164 : memref<1000000x128xf32, #tpu.memory_space<hbm>>) dst(%dma_wait3A_156 : memref<128x128xf32, #tpu.memory_space<vmem>>)
    %dma_wait3A_167 = arith.constant 0 : i32
    %dma_wait3A_168 = arith.constant 0 : i32
    %dma_wait3A_169 = arith.constant 0 : i32
    %dma_wait3A_170 = arith.constant 0 : i32
    %dma_wait3A_171 = arith.constant 0 : i32
    %dma_wait3A_172 = tpu.memref_slice %arg6[%dma_wait3A_168, %dma_wait3A_170, %dma_wait3A_171] : memref<2x200x128xf32, #tpu.memory_space<vmem>> -> memref<1x200x128xf32, #tpu.memory_space<vmem>>
    %dma_wait3A_173 = tpu.memref_squeeze %dma_wait3A_172 : memref<1x200x128xf32, #tpu.memory_space<vmem>> -> memref<200x128xf32, #tpu.memory_space<vmem>>
    %dma_wait3A_174 = arith.constant 128 : i32
    %dma_wait3A_175 = arith.constant 0 : i32
    %dma_wait3A_176 = tpu.memref_slice %dma_wait3A_173[%dma_wait3A_174, %dma_wait3A_175] : memref<200x128xf32, #tpu.memory_space<vmem>> -> memref<72x128xf32, #tpu.memory_space<vmem>>
    %dma_wait3A_177 = arith.constant 0 : i32
    %dma_wait3A_178 = tpu.memref_slice %arg5[%dma_wait3A_167, %dma_wait3A_177] : memref<2x200xi32, #tpu.memory_space<vmem>> -> memref<1x200xi32, #tpu.memory_space<vmem>>
    %dma_wait3A_179 = tpu.memref_squeeze %dma_wait3A_178 : memref<1x200xi32, #tpu.memory_space<vmem>> -> memref<200xi32, #tpu.memory_space<vmem>>
    %dma_wait3A_180 = arith.constant 128 : i32
    %dma_wait3A_181 = tpu.memref_slice %dma_wait3A_179[%dma_wait3A_180] : memref<200xi32, #tpu.memory_space<vmem>> -> memref<72xi32, #tpu.memory_space<vmem>>
    %dma_wait3A_182 = arith.constant 0 : i32
    %dma_wait3A_183 = arith.constant 0 : i32
    %dma_wait3A_184 = tpu.memref_slice %arg2[%dma_wait3A_182, %dma_wait3A_183] : memref<1000000x128xf32, #tpu.memory_space<hbm>> -> memref<1000000x128xf32, #tpu.memory_space<hbm>>
    %dma_wait3A_185 = tpu.memref_slice %arg9[%dma_wait3A_169] : memref<2x!tpu.dma_semaphore, #tpu.memory_space<semaphore_mem>> -> memref<1x!tpu.dma_semaphore, #tpu.memory_space<semaphore_mem>>
    %dma_wait3A_186 = tpu.memref_squeeze %dma_wait3A_185 : memref<1x!tpu.dma_semaphore, #tpu.memory_space<semaphore_mem>> -> memref<!tpu.dma_semaphore, #tpu.memory_space<semaphore_mem>>
    tpu.wait_indirect_dma semaphore(%dma_wait3A_186 : memref<!tpu.dma_semaphore, #tpu.memory_space<semaphore_mem>>) src(%dma_wait3A_184 : memref<1000000x128xf32, #tpu.memory_space<hbm>>) dst(%dma_wait3A_176 : memref<72x128xf32, #tpu.memory_space<vmem>>)
    %mul3A_187 = arith.constant 128 : i32
    %mul3A_188 = arith.muli %add3A, %mul3A_187 : i32
    %add3A_189 = arith.constant 127 : i32
    %add3A_190 = arith.addi %mul3A_188, %add3A_189 : i32
    %dma_wait3A_191 = arith.constant 1 : i32
    %dma_wait3A_192 = arith.constant 1 : i32
    %dma_wait3A_193 = arith.constant 0 : i32
    %dma_wait3A_194 = tpu.memref_slice %arg5[%dma_wait3A_191, %dma_wait3A_193] : memref<2x200xi32, #tpu.memory_space<vmem>> -> memref<1x200xi32, #tpu.memory_space<vmem>>
    %dma_wait3A_195 = tpu.memref_squeeze %dma_wait3A_194 : memref<1x200xi32, #tpu.memory_space<vmem>> -> memref<200xi32, #tpu.memory_space<vmem>>
    %dma_wait3A_196 = arith.constant 0 : i32
    %dma_wait3A_197 = tpu.memref_slice %arg3[%add3A_190, %dma_wait3A_196] : memref<4096x200xi32, #tpu.memory_space<hbm>> -> memref<1x200xi32, #tpu.memory_space<hbm>>
    %dma_wait3A_198 = tpu.memref_squeeze %dma_wait3A_197 : memref<1x200xi32, #tpu.memory_space<hbm>> -> memref<200xi32, #tpu.memory_space<hbm>>
    %dma_wait3A_199 = tpu.memref_slice %arg8[%dma_wait3A_192] : memref<2x!tpu.dma_semaphore, #tpu.memory_space<semaphore_mem>> -> memref<1x!tpu.dma_semaphore, #tpu.memory_space<semaphore_mem>>
    %dma_wait3A_200 = tpu.memref_squeeze %dma_wait3A_199 : memref<1x!tpu.dma_semaphore, #tpu.memory_space<semaphore_mem>> -> memref<!tpu.dma_semaphore, #tpu.memory_space<semaphore_mem>>
    %dma_wait3A_201 = arith.constant 0 : i32
    %dma_wait3A_202 = tpu.memref_slice %arg5[%dma_wait3A_191, %dma_wait3A_201] : memref<2x200xi32, #tpu.memory_space<vmem>> -> memref<1x200xi32, #tpu.memory_space<vmem>>
    %dma_wait3A_203 = tpu.memref_squeeze %dma_wait3A_202 : memref<1x200xi32, #tpu.memory_space<vmem>> -> memref<200xi32, #tpu.memory_space<vmem>>
    %dma_wait3A_204 = arith.constant 0 : i32
    %dma_wait3A_205 = tpu.memref_slice %arg3[%add3A_190, %dma_wait3A_204] : memref<4096x200xi32, #tpu.memory_space<hbm>> -> memref<1x200xi32, #tpu.memory_space<hbm>>
    %dma_wait3A_206 = tpu.memref_squeeze %dma_wait3A_205 : memref<1x200xi32, #tpu.memory_space<hbm>> -> memref<200xi32, #tpu.memory_space<hbm>>
    tpu.wait_dma2 semaphore(%dma_wait3A_200 : memref<!tpu.dma_semaphore, #tpu.memory_space<semaphore_mem>>) src(%dma_wait3A_206 : memref<200xi32, #tpu.memory_space<hbm>>) dst(%dma_wait3A_203 : memref<200xi32, #tpu.memory_space<vmem>>)
    return
  }
}

</mosaic_0001>

<sc_bundles>
// kernel: kernel.3.cloned.1.call-start
scs
__scs_entry_jumppad:
0x0: {  	(pc) =	sbr.rel $0x88, $3  }
0x1: {  	(tag) =	ssettag $0x0;
	lr =	simm.s32 $0x1  }
0x2: {  	[smem:$0x3F9F] =	sst lr;
	_ =	strace $0xD0000000  }
0x3: {  	_ = 	snop  }
0x4: {  	_ = 	snop  }
0x5: {  	_ = 	snop  }
0x6: {  	_ = 	snop  }
0x7: {  	_ = 	snop  }
__scs_overlays_trampoline_lowered:
0x8: {  	[smem:$0x3FAE] =	sst s0  }
0x9: {  	[smem:$0x3FAF] =	sst s1  }
0xa: {  	[smem:$0x3FB0] =	sst s2  }
0xb: {  	[smem:$0x3FB1] =	sst s3  }
0xc: {  	[smem:$0x3FB2] =	sst s4  }
0xd: {  	[smem:$0x3FB3] =	sst s5  }
0xe: {  	[smem:$0x3FB4] =	sst s6  }
0xf: {  	[smem:$0x3FB5] =	sst s7  }
0x10: {  	[smem:$0x3FB6] =	sst s8  }
0x11: {  	[smem:$0x3FB7] =	sst s9;
	s0 =	simm.s32 @!p0 $0x0  }
0x12: {  	s1 =	sld [smem:$0x3F9D];
	s0 =	simm.s32 @p0 $0x1  }
0x13: {  	[smem:$0x3FB8] =	sst s0;
	s0 =	simm.s32 @!p1 $0x0  }
0x14: {  	s2 =	sld [smem:$0x3F9C];
	s0 =	simm.s32 @p1 $0x1  }
0x15: {  	[smem:$0x3FB9] =	sst s0;
	s0 =	simm.s32 @!p2 $0x0  }
0x16: {  	s3 =	sld [smem:$0x3FDB];
	s0 =	simm.s32 @p2 $0x1  }
0x17: {  	s4 =	simm.s32 $0x1BF5;
	[smem:$0x3FBB] =	sst s0  }
0x18: {  	s0 =	sld [smem:$0x3F9E];
	_ =	swait.ge [sflag:s4], $0x0  }
0x19: {  	s7 =	sld [smem:$0x3F9F]  }
0x1a: {  	s8 =	sadd.s32 $0xFFFFE003, lr  }
0x1b: {  	s9 =	sadd.s32 $0xFFFFFEF7, lr;
	s5 =	simm.s32 $0xFFFFFFFF;
	p2 =	slt.u32 s8, $0xFFFFF086  }
0x1c: {  	p1 =	slt.u32 s9, $0xF7A;
	s5 =	simm.s32 @!p2 $0x0  }
0x1d: {  	s5 =	simm.s32 @p1 $0x1;
	p0 =	seq.s32 s7, s2  }
0x1e: {  	s7 =	smul.u32 @!p0 $0xF7A, s2;
	p2 =	seq.s32 @!p0 s5, $0x0  }
0x1f: {  	s9 =	smul.u32 $0xF7A, s1;
	s8 =	simm.s32 @!p0 $0x1BF5;
	p2 =	por !p2, p0  }
0x20: {  	[sflag:s8] =	ssyncset.s32 @!p0 $0xFFFFF086;
	s6 =	sadd.s32 @!p0 s3, s7;
	s7 =	simm.s32 @!p0 $0x108  }
0x21: {  	s3 =	sadd.s32 s3, s9;
	s6 =	sadd.s32 @!p0 $0x88, s6;
	s7 =	simm.s32 @p2 $0x1082  }
0x22: {  	[simem:s7], [sflag:s8] =	dma.local @!p0 [hbm:s6], $0xF7A  }
0x23: {  	s9 =	sor.u32 $0xD0000000, s2;
	s6 =	simm.s32 $0x108;
	_ =	swait.ge @!p0 [sflag:s8], $0x0  }
0x24: {  	s3 =	sadd.s32 $0x88, s3;
	s6 =	simm.s32 @!p1 $0x1082;
	[sflag:s4] =	ssyncset.s32 $0xFFFFF086  }
0x25: {  	[simem:s6], [sflag:s4] =	dma.local [hbm:s3], $0xF7A  }
0x26: {  	[smem:$0x3F9F] =	sst s1;
	(tag) =	ssettag s2;
	_ =	strace s9  }
0x27: {  	s1 =	sld [smem:$0x3FAF]  }
0x28: {  	s2 =	sld [smem:$0x3FB0]  }
0x29: {  	s4 =	sld [smem:$0x3FB2]  }
0x2a: {  	p0 =	seq.s32 s5, $0x0;
	s5 =	sld [smem:$0x3FB3]  }
0x2b: {  	s6 =	sld [smem:$0x3FB4]  }
0x2c: {  	s7 =	sld [smem:$0x3FB5]  }
0x2d: {  	s3 =	simm.s32 $0x108;
	s8 =	sld [smem:$0x3FB6]  }
0x2e: {  	s3 =	simm.s32 @!p0 $0x1082;
	s9 =	sld [smem:$0x3FB7]  }
0x2f: {  	lr =	sadd.s32 s0, s3;
	s0 =	sld [smem:$0x3FAE]  }
0x30: {  	s3 =	sld [smem:$0x3FB1]  }
0x31: {  	[smem:$0x3FBA] =	sst s10  }
0x32: {  	s10 =	sld [smem:$0x3FB8];
	_ =	sdelay $0x3  }
0x33: {  	p0 =	seq.s32 s10, $0x1;
	s10 =	sld [smem:$0x3FBA];
	_ =	sdelay $0x3  }
0x34: {  	[smem:$0x3FBA] =	sst s10  }
0x35: {  	s10 =	sld [smem:$0x3FB9];
	_ =	sdelay $0x3  }
0x36: {  	p1 =	seq.s32 s10, $0x1;
	s10 =	sld [smem:$0x3FBA];
	_ =	sdelay $0x3  }
0x37: {  	[smem:$0x3FBA] =	sst s10  }
0x38: {  	s10 =	sld [smem:$0x3FBB]  }
0x39: {  	_ = 	snop;
	(pc) =	sbr.ind lr, $3  }
0x3a: {  	_ = 	snop  }
0x3b: {  	_ = 	snop  }
0x3c: {  	p2 =	seq.s32 s10, $0x1;
	s10 =	sld [smem:$0x3FBA]  }
0x3d: {  	_ =	shalt  }
0x3e: {  	_ =	shalt  }
0x3f: {  	_ =	shalt  }
0x40: {  	_ =	shalt  }
0x41: {  	_ =	shalt  }
0x42: {  	_ =	shalt  }
0x43: {  	_ =	shalt  }
0x44: {  	_ =	shalt  }
0x45: {  	_ =	shalt  }
0x46: {  	_ =	shalt  }
0x47: {  	_ =	shalt  }
0x48: {  	_ =	shalt  }
0x49: {  	_ =	shalt  }
0x4a: {  	_ =	shalt  }
0x4b: {  	_ =	shalt  }
0x4c: {  	_ =	shalt  }
0x4d: {  	_ =	shalt  }
0x4e: {  	_ =	shalt  }
0x4f: {  	_ =	shalt  }
0x50: {  	_ =	shalt  }
0x51: {  	_ =	shalt  }
0x52: {  	_ =	shalt  }
0x53: {  	_ =	shalt  }
0x54: {  	_ =	shalt  }
0x55: {  	_ =	shalt  }
0x56: {  	_ =	shalt  }
0x57: {  	_ =	shalt  }
0x58: {  	_ =	shalt  }
0x59: {  	_ =	shalt  }
0x5a: {  	_ =	shalt  }
0x5b: {  	_ =	shalt  }
0x5c: {  	_ =	shalt  }
0x5d: {  	_ =	shalt  }
0x5e: {  	_ =	shalt  }
0x5f: {  	_ =	shalt  }
0x60: {  	_ =	shalt  }
0x61: {  	_ =	shalt  }
0x62: {  	_ =	shalt  }
0x63: {  	_ =	shalt  }
0x64: {  	_ =	shalt  }
0x65: {  	_ =	shalt  }
0x66: {  	_ =	shalt  }
0x67: {  	_ =	shalt  }
0x68: {  	_ =	shalt  }
0x69: {  	_ =	shalt  }
0x6a: {  	_ =	shalt  }
0x6b: {  	_ =	shalt  }
0x6c: {  	_ =	shalt  }
0x6d: {  	_ =	shalt  }
0x6e: {  	_ =	shalt  }
0x6f: {  	_ =	shalt  }
0x70: {  	_ =	shalt  }
0x71: {  	_ =	shalt  }
0x72: {  	_ =	shalt  }
0x73: {  	_ =	shalt  }
0x74: {  	_ =	shalt  }
0x75: {  	_ =	shalt  }
0x76: {  	_ =	shalt  }
0x77: {  	_ =	shalt  }
0x78: {  	_ =	shalt  }
0x79: {  	_ =	shalt  }
0x7a: {  	_ =	shalt  }
0x7b: {  	_ =	shalt  }
0x7c: {  	_ =	shalt  }
0x7d: {  	_ =	shalt  }
0x7e: {  	_ =	shalt  }
0x7f: {  	_ =	shalt  }
0x80: {  	_ =	shalt  }
0x81: {  	_ =	shalt  }
0x82: {  	_ =	shalt  }
0x83: {  	_ =	shalt  }
0x84: {  	_ =	shalt  }
0x85: {  	_ =	shalt  }
0x86: {  	_ =	shalt  }
0x87: {  	_ =	shalt  }
.Lfunc_end0:
.L_simem_size_0:
called_computation.1_lowered:
.L_overlay_start_0:
0x88: {  	s2 =	sld [smem:$0x3FD9]  }
0x89: {  	s3 =	sld [smem:$0x3FFE];
	_ =	sdelay $0x1  }
0x8a: {  	s1 =	srdreg.scid  }
0x8b: {  	s0 =	sand.u32 $0x1, s1  }
0x8c: {  	s17 =	sshll.u32 s0, $0xA;
	s2 =	sadd.s32 s3, s2  }
0x8d: {  	s2 =	sadd.s32 s2, s17  }
0x8e: {  	[smem:$0x3FC6] =	sst s2  }
0x8f: {  	_ = 	snop  }
0x90: {  	s2 =	sld [smem:$0x3FD0];
	(tm) =	ssettm $0x1  }
0x91: {  	s18 =	sld [smem:$0x3FFB];
	_ =	sdelay $0x3  }
0x92: {  	_ =	strace s18  }
0x93: {  	s3 =	sld [smem:$0x3FFC];
	_ =	sdelay $0x3  }
0x94: {  	_ =	strace s3  }
0x95: {  	s3 =	sld [smem:$0x3FFD];
	_ =	sdelay $0x3  }
0x96: {  	_ =	strace s3  }
0x97: {  	_ =	strace $0x8FFFFFFF  }
0x98: {  	s19 =	sld [smem:$0x3FDB];
	_ =	sdelay $0x1  }
0x99: {  	s4 =	simm.s32 $_scs_section_size  }
0x9a: {  	s5 =	simm.s32 $_size__tile_overlayer_lowered;
	s6 =	simm.s32 $_tile_overlayer_lowered  }
0x9b: {  	s22 =	simm.s32 $0x1BFF;
	s21 =	sshll.u32 s6, $0x1;
	s3 =	sadd.s32 s4, s19  }
0x9c: {  	s7 =	simm.s32 $0x0;
	s20 =	sshll.u32 s5, $0x1;
	s5 =	sadd.s32 s21, s3  }
0x9d: {  	[timem:s7], [sflag:s22] =	dma.local [hbm:s5], s20  }
0x9e: {  	_ =	swait.ge [sflag:s22], s20  }
0x9f: {  	s4 =	ssub.s32 $0x0, s20;
	[sflag:s22] =	ssyncset.done $0x0  }
0xa0: {  	[sflag:s22] =	ssyncadd.s32 s4;
	_ =	sdelay $0x1  }
0xa1: {  	s23 =	simm.s32 $0x1B8B  }
0xa2: {  	_ =	swait.ge [sflag:s23], $0x1  }
0xa3: {  	[sflag:s23] =	ssyncset.done $0x0  }
0xa4: {  	s25 =	simm.s32 $0x1B8E;
	s24 =	sld [smem:$0x3FFE];
	[sflag:s23] =	ssyncadd.s32 $0xFFFFFFFF  }
0xa5: {  	s26 =	simm.s32 $execute0_lowered;
	[smem:$0x3FD2] =	sst s25  }
0xa6: {  	s5 =	sshll.u32 s26, $0x1;
	_ =	strace $0x80000046;
	[dreg:$0x1] =	wrdreg $0xFFFFFFFF  }
0xa7: {  	s28 =	simm.s32 $_size_execute0_lowered;
	s3 =	sadd.s32 s3, s5;
	[dreg:$0x0] =	wrdreg $0x0  }
0xa8: {  	s5 =	sshll.u32 s28, $0x1;
	[dreg:$0x2] =	wrdreg s3  }
0xa9: {  	[dreg:$0x3] =	wrdreg s5  }
0xaa: {  	[dreg:$0x4] =	wrdreg $0xC0  }
0xab: {  	_ =	task [dreg:s7], $0x5FFFF  }
0xac: {  	[dreg:$0x1] =	wrdreg $0xFFFFFFFF  }
0xad: {  	[dreg:$0x0] =	wrdreg $0x60  }
0xae: {  	[dreg:$0x2] =	wrdreg s24  }
0xaf: {  	[dreg:$0x3] =	wrdreg s2  }
0xb0: {  	[dreg:$0x4] =	wrdreg $0x9  }
0xb1: {  	_ =	task.clear_ibuf [dreg:s7], $0x5FFFF;
	_ =	strace $0x90000046  }
0xb2: {  	s29 =	simm.s32 $0x9;
	_ =	strace $0x80000048  }
0xb3: {  	_ =	swait.ge [sflag:s29], $0x1  }
0xb4: {  	[sflag:s29] =	ssyncadd.s32 $0xFFFFFFFF  }
0xb5: {  	_ =	strace $0x90000048  }
0xb6: {  	_ =	sfence  }
0xb7: {  	s30 =	sld [smem:$0x0];
	_ =	sdelay $0x2  }
0xb8: {  	s31 =	sshll.u32 s1, $0xD;
	s1 =	sshrl.u32 s1, $0x2  }
0xb9: {  	s3 =	sand.u32 $0x4000, s31;
	s1 =	sadd.s32 s1, s30  }
0xba: {  	s0 =	sor.u32 s3, s0;
	s1 =	sshll.u32 s1, $0x11  }
0xbb: {  	s0 =	sor.u32 s1, s0  }
0xbc: {  	s0 =	sadd.s32 $0x8F2B, s0  }
0xbd: {  	[sflag:s0] =	ssyncadd.remote.s32 $0x1  }
0xbe: {  	_ =	sfence.sel $0xFFFF  }
0xbf: {  	[dreg:$0x0] =	wrdreg $0xFFFFFFFF;
	(pc) =	sbr.abs _section_cstart, $3  }
0xc0: {  	[dreg:$0x1] =	wrdreg $0xFFFFFFFF  }
0xc1: {  	_ =	task.clear_ibuf [dreg:s7], $0x2FFFF;
	_ =	strace $0x9FFFFFFF  }
0xc2: {  	(tm) =	ssettm $0x7FFFFFFF  }
0xc3: {  	_ =	shalt  }
tec
execute0_lowered:
.L_overlay_start_1:
0x0: {  	(tag) =	ssettag $0x1  }
0x1: {  	s0 =	rddreg [dreg:$0x0]  }
0x2: {  	s2 =	rddreg [dreg:$0x1];
	s1 =	srdreg.scid  }
0x3: {  	s3 =	simm.s32 $0x0;
	s4 =	stileid.u32;
	s12 =	simm.s32 $0x100  }
0x4: {  	s13 =	simm.s32 $0x80;
	s14 =	simm.s32 $0x180;
	s15 =	simm.s32 $0x1  }
0x5: {  	s16 =	simm.s32 $0x200;
	s17 =	simm.s32 $0x48;
	s18 =	simm.s32 $0x4200  }
0x6: {  	s19 =	simm.s32 $0x3;
	s20 =	simm.s32 $0x2;
	s21 =	simm.s32 $0x6600  }
0x7: {  	s22 =	simm.s32 $0xA600;
	s23 =	simm.s32 $0xCA00;
	s24 =	simm.s32 $0x4  }
0x8: {  	s25 =	simm.s32 $0x12E00;
	s28 =	simm.s32 $0x6;
	s1 =	sand.u32 $0x1, s1  }
0x9: {  	s4 =	sshll.u32 s4, $0x8;
	s5 =	sshll.u32 s1, $0x7;
	s1 =	ssub.s32 $0x2, s1  }
0xa: {  	[smem:$0x7FF] =	sst s3;
	s4 =	sor.u32 s5, s4;
	s7 =	sshrl.u32 s1, $0x1  }
0xb: {  	s6 =	sadd.s32 $0xA00, s0;
	s8 =	sshll.u32 s4, $0x5;
	s26 =	ssub.s32 s1, s7  }
0xc: {  	s5 =	sadd.s32 $0xF42E00, s0;
	s7 =	sadd.s32 s2, s8;
	s0 =	smax.u32 s26, $0x1  }
0xd: {  	_ =	strace $0x80000047;
	s30 =	sadd.s32 $0x10, s7;
	[dreg:$0x4] =	wrdreg s0  }
0xe: {  	s29 =	simm.s32 $0x0;
	s31 =	sadd.s32 $0x80, s7;
	[dreg:$0x3] =	wrdreg s30  }
0xf: {  	s26 =	simm.s32 $0x5;
	s11 =	sadd.s32 $0x90, s7;
	[dreg:$0x5] =	wrdreg s31  }
.LBB2_1:
0x10: {  	[tilespmem:s3], [sflag:$0x1] =	stream.linear.gather [hbm4b:s7+s3], $0x80, $0x38;
	[tilespmem:$0x19200] =	vst v63  }
0x11: {  	s0 =	rddreg [dreg:$0x5]  }
0x12: {  	[tilespmem:s12], [sflag:$0x1] =	stream.linear.gather [hbm4b:s0+s3], $0x80, $0x38;
	[tilespmem:$0x19200] =	vst v63  }
0x13: {  	s31 =	rddreg [dreg:$0x3]  }
0x14: {  	[tilespmem:s13], [sflag:$0x2] =	stream.linear.gather [hbm4b:s31+s3], $0x80, $0x38;
	[tilespmem:$0x19200] =	vst v63  }
0x15: {  	_ = 	snop  }
0x16: {  	[tilespmem:s14], [sflag:$0x2] =	stream.linear.gather [hbm4b:s11+s3], $0x80, $0x38;
	[tilespmem:$0x19200] =	vst v63  }
0x17: {  	_ =	swait.ge [sflag:s15], $0x100  }
0x18: {  	[sflag:s15] =	ssyncset.done $0x0  }
0x19: {  	[sflag:s15] =	ssyncadd.s32 $0xFFFFFF00  }
0x1a: {  	[tilespmem:s16], [sflag:$0x3] =	stream.indirect.gather [hbm4b:s5+s13], $0x80, s3, s13, $0xb8;
	[tilespmem:$0x19200] =	vst v63  }
0x1b: {  	s30 =	simm.s32 $0x0  }
0x1c: {  	[tilespmem:s18], [sflag:$0x3] =	stream.indirect.gather [hbm4b:s5+s17], $0x80, s12, s17, $0xb8;
	[tilespmem:$0x19200] =	vst v63  }
.LBB2_2:
0x1d: {  	_ =	swait.ge [sflag:s19], $0x4000  }
0x1e: {  	[sflag:s19] =	ssyncset.done $0x0  }
0x1f: {  	[sflag:s19] =	ssyncadd.s32 $0xFFFFC000  }
0x20: {  	_ =	swait.ge [sflag:s19], $0x2400  }
0x21: {  	[sflag:s19] =	ssyncset.done $0x0  }
0x22: {  	[sflag:s19] =	ssyncadd.s32 $0xFFFFDC00  }
0x23: {  	_ =	swait.ge [sflag:s20], $0x100  }
0x24: {  	[sflag:s20] =	ssyncset.done $0x0  }
0x25: {  	p0 =	seq.s32 s30, $0x0;
	[sflag:s20] =	ssyncadd.s32 $0xFFFFFF00  }
0x26: {  	[tilespmem:s21], [sflag:$0x4] =	stream.indirect.gather [hbm4b:s5+s13], $0x80, s13, s13, $0xb8;
	[tilespmem:$0x19200] =	vst v63  }
0x27: {  	s0 =	simm.s32 @!p0 $0x5  }
0x28: {  	[tilespmem:s22], [sflag:$0x4] =	stream.indirect.gather [hbm4b:s5+s17], $0x80, s14, s17, $0xb8;
	[tilespmem:$0x19200] =	vst v63  }
0x29: {  	_ =	swait.ge @!p0 [sflag:s0], $0x6400  }
0x2a: {  	[sflag:s0] =	ssyncset.done @!p0 $0x0  }
0x2b: {  	s1 =	simm.s32 $0x0;
	[sflag:s0] =	ssyncadd.s32 @!p0 $0xFFFF9C00  }
0x2c: {  	v0 =	vld [tilespmem:s1+$0x230]  }
0x2d: {  	s0 =	sshll.u32 s30, $0x1;
	v1 =	vld [tilespmem:s1+$0x200]  }
0x2e: {  	s8 =	smin.u32 s0, $0x7D;
	v2 =	vld [tilespmem:s1+$0x210]  }
0x2f: {  	s31 =	sshllo.u32 s30, $0x1;
	s9 =	simm.s32 $0x200;
	v3 =	vld [tilespmem:s1+$0x220];
	s8 =	sadd.s32 $0x2, s8  }
.LBB2_3:
0x30: {  	p1 =	sne.s32 s9, $0x18E00  }
.Ltmp0:
0x31: {  	s10 =	sshra.s32 s9, $0x2;
	s9 =	sadd.s32 $0x200, s9;
	[tilespmem:s1+$0xCA30] =	vst v0;
	(pc) =	sbr.rel @p1 .LBB2_3-.Ltmp0, $4  }
0x32: {  	v0 =	vld [tilespmem:s10+$0x230];
	[tilespmem:s1+$0xCA00] =	vst v1  }
0x33: {  	v1 =	vld [tilespmem:s10+$0x200];
	[tilespmem:s1+$0xCA10] =	vst v2  }
0x34: {  	v2 =	vld [tilespmem:s10+$0x210];
	[tilespmem:s1+$0xCA20] =	vst v3;
	s1 =	smov.u32 s10  }
0x35: {  	v3 =	vld [tilespmem:s1+$0x220]  }
0x36: {  	_ = 	snop  }
0x37: {  	s9 =	sadd.s32 s4, s0;
	[tilespmem:s1+$0xCA30] =	vst v0  }
0x38: {  	s9 =	smul.u32 $0xC80, s9;
	[tilespmem:s1+$0xCA00] =	vst v1  }
0x39: {  	[tilespmem:s1+$0xCA10] =	vst v2  }
0x3a: {  	s9 =	sadd.s32 s6, s9;
	[tilespmem:s1+$0xCA20] =	vst v3  }
0x3b: {  	[hbm4b:s9+s3] =	stream.linear.scatter [tilespmem:s23], [sflag:$0x5], $0x6400, $0x38;
	[tilespmem:$0x19200] =	vst v63  }
0x3c: {  	s10 =	sadd.s32 s4, s8;
	s9 =	sshll.u32 s8, $0x4  }
0x3d: {  	s1 =	sshll.u32 s10, $0x5;
	s8 =	sand.u32 $0x70, s9  }
0x3e: {  	s1 =	sand.u32 $0x3FF00, s1;
	s8 =	sadd.s32 s2, s8  }
0x3f: {  	s1 =	sadd.s32 s1, s8  }
0x40: {  	[tilespmem:s3], [sflag:$0x1] =	stream.linear.gather [hbm4b:s1+s3], $0x80, $0x38;
	[tilespmem:$0x19200] =	vst v63  }
0x41: {  	s1 =	sadd.s32 $0x80, s1  }
0x42: {  	[tilespmem:s12], [sflag:$0x1] =	stream.linear.gather [hbm4b:s1+s3], $0x80, $0x38;
	[tilespmem:$0x19200] =	vst v63  }
0x43: {  	_ =	swait.ge [sflag:s24], $0x4000  }
0x44: {  	[sflag:s24] =	ssyncset.done $0x0  }
0x45: {  	[sflag:s24] =	ssyncadd.s32 $0xFFFFC000  }
0x46: {  	_ =	swait.ge [sflag:s24], $0x2400  }
0x47: {  	[sflag:s24] =	ssyncset.done $0x0  }
0x48: {  	[sflag:s24] =	ssyncadd.s32 $0xFFFFDC00  }
0x49: {  	_ =	swait.ge [sflag:s15], $0x100  }
0x4a: {  	[sflag:s15] =	ssyncset.done $0x0  }
0x4b: {  	[sflag:s15] =	ssyncadd.s32 $0xFFFFFF00  }
0x4c: {  	[tilespmem:s16], [sflag:$0x3] =	stream.indirect.gather [hbm4b:s5+s13], $0x80, s3, s13, $0xb8;
	[tilespmem:$0x19200] =	vst v63  }
0x4d: {  	s1 =	simm.s32 @!p0 $0x6  }
0x4e: {  	[tilespmem:s18], [sflag:$0x3] =	stream.indirect.gather [hbm4b:s5+s17], $0x80, s12, s17, $0xb8;
	[tilespmem:$0x19200] =	vst v63  }
0x4f: {  	_ =	swait.ge @!p0 [sflag:s1], $0x6400  }
0x50: {  	[sflag:s1] =	ssyncset.done @!p0 $0x0  }
0x51: {  	[sflag:s1] =	ssyncadd.s32 @!p0 $0xFFFF9C00;
	s1 =	simm.s32 $0x0  }
0x52: {  	v2 =	vld [tilespmem:s1+$0x6630]  }
0x53: {  	v0 =	vld [tilespmem:s1+$0x6600]  }
0x54: {  	s10 =	smin.u32 s0, $0x7C;
	v1 =	vld [tilespmem:s1+$0x6610]  }
0x55: {  	s0 =	sadd.s32 $0x3, s10;
	s8 =	simm.s32 $0x200;
	v3 =	vld [tilespmem:s1+$0x6620]  }
.LBB2_5:
0x56: {  	p0 =	sne.s32 s8, $0x18E00  }
.Ltmp1:
0x57: {  	s9 =	sshra.s32 s8, $0x2;
	s8 =	sadd.s32 $0x200, s8;
	[tilespmem:s1+$0x12E30] =	vst v2;
	(pc) =	sbr.rel @p0 .LBB2_5-.Ltmp1, $4  }
0x58: {  	v2 =	vld [tilespmem:s9+$0x6630];
	[tilespmem:s1+$0x12E00] =	vst v0  }
0x59: {  	v0 =	vld [tilespmem:s9+$0x6600];
	[tilespmem:s1+$0x12E10] =	vst v1  }
0x5a: {  	v1 =	vld [tilespmem:s9+$0x6610];
	[tilespmem:s1+$0x12E20] =	vst v3;
	s1 =	smov.u32 s9  }
0x5b: {  	v3 =	vld [tilespmem:s1+$0x6620]  }
0x5c: {  	_ = 	snop  }
0x5d: {  	s8 =	sadd.s32 s4, s31;
	[tilespmem:s1+$0x12E30] =	vst v2  }
0x5e: {  	s31 =	sshll.u32 s0, $0x4;
	s8 =	smul.u32 $0xC80, s8;
	[tilespmem:s1+$0x12E00] =	vst v0  }
0x5f: {  	s10 =	sadd.s32 s4, s0;
	s30 =	sadd.s32 $0x1, s30;
	s0 =	sand.u32 $0x70, s31;
	[tilespmem:s1+$0x12E10] =	vst v1  }
0x60: {  	p0 =	sne.s32 s30, $0x40;
	s9 =	sadd.s32 s6, s8;
	[tilespmem:s1+$0x12E20] =	vst v3;
	s1 =	sshll.u32 s10, $0x5  }
0x61: {  	[hbm4b:s9+s3] =	stream.linear.scatter [tilespmem:s25], [sflag:$0x6], $0x6400, $0x38;
	[tilespmem:$0x19200] =	vst v63  }
.Ltmp2:
0x62: {  	s0 =	sadd.s32 s2, s0;
	s1 =	sand.u32 $0x3FF00, s1;
	(pc) =	sbr.rel @p0 .LBB2_2-.Ltmp2, $4  }
0x63: {  	s0 =	sadd.s32 s1, s0  }
0x64: {  	[tilespmem:s13], [sflag:$0x2] =	stream.linear.gather [hbm4b:s0+s3], $0x80, $0x38;
	[tilespmem:$0x19200] =	vst v63  }
0x65: {  	s0 =	sadd.s32 $0x80, s0  }
0x66: {  	[tilespmem:s14], [sflag:$0x2] =	stream.linear.gather [hbm4b:s0+s3], $0x80, $0x38;
	[tilespmem:$0x19200] =	vst v63  }
0x67: {  	_ =	swait.ge [sflag:s26], $0x6400  }
0x68: {  	[sflag:s26] =	ssyncset.done $0x0  }
0x69: {  	[sflag:s26] =	ssyncadd.s32 $0xFFFF9C00  }
0x6a: {  	_ =	swait.ge [sflag:s28], $0x6400  }
0x6b: {  	[sflag:s28] =	ssyncset.done $0x0  }
0x6c: {  	[sflag:s28] =	ssyncadd.s32 $0xFFFF9C00  }
0x6d: {  	_ =	swait.ge [sflag:s19], $0x4000  }
0x6e: {  	[sflag:s19] =	ssyncset.done $0x0  }
0x6f: {  	[sflag:s19] =	ssyncadd.s32 $0xFFFFC000  }
0x70: {  	_ =	swait.ge [sflag:s19], $0x2400  }
0x71: {  	[sflag:s19] =	ssyncset.done $0x0  }
0x72: {  	[sflag:s19] =	ssyncadd.s32 $0xFFFFDC00  }
0x73: {  	_ =	swait.ge [sflag:s20], $0x100  }
0x74: {  	s29 =	sadd.s32 $0x1, s29;
	s0 =	rddreg [dreg:$0x4]  }
0x75: {  	p0 =	sne.s32 s29, s0  }
.Ltmp3:
0x76: {  	_ = 	snop;
	(pc) =	sbr.rel @p0 .LBB2_1-.Ltmp3, $3  }
0x77: {  	_ =	sdelay $0x1  }
0x78: {  	[sflag:s20] =	ssyncset.done $0x0  }
0x79: {  	[sflag:s20] =	ssyncadd.s32 $0xFFFFFF00  }
0x7a: {  	_ =	sfence.sel $0x180000  }
0x7b: {  	[bflag:$0x0] =	sbarrier.arrive $0xFFFF  }
0x7c: {  	_ =	strace $0x90000047  }
0x7d: {  	s0 =	stileid.u32;
	[bflag:$0x2] =	sbarrier.arrive $0xFFFF  }
0x7e: {  	p0 =	sne.s32 s0, $0x0;
	s0 =	rddreg [dreg:$0x2]  }
0x7f: {  	s0 =	sadd.s32 @!p0 $0x100000, s0  }
0x80: {  	[sflag:s0] =	ssyncadd.tile.s32 @!p0 $0x1;
	_ =	shalt  }
.Lfunc_end2:
_tile_overlayer_lowered:
.L_overlay_start_2:
0x81: {  	(tag) =	ssettag $0x2  }
0x82: {  	s0 =	rddreg [dreg:$0x0];
	s2 =	stileid.u32  }
0x83: {  	s1 =	rddreg [dreg:$0x1];
	p0 =	sne.s32 s2, $0x0  }
0x84: {  	s3 =	rddreg [dreg:$0x2];
	[bflag:$0x3] =	sbarrier.arrive $0xFFFF;
	s2 =	simm.s32 @!p0 $0x1C07  }
0x85: {  	[timem:s3], [sflag:s2] =	dma.local @!p0 [hbm:s0], s1  }
0x86: {  	s0 =	simm.s32 @!p0 $0x7  }
0x87: {  	_ =	swait.ge @!p0 [sflag:s0], s1  }
0x88: {  	s1 =	ssub.s32 @!p0 $0x0, s1;
	[sflag:s0] =	ssyncset.done @!p0 $0x0  }
0x89: {  	[sflag:s0] =	ssyncadd.s32 @!p0 s1  }
0x8a: {  	[bflag:$0x3] =	sbarrier.arrive $0xFFFF  }
0x8b: {  	_ =	shalt  }

// kernel: sparse-core-data-format-call.cloned.1.call-start
scs
called_computation_lowered:
.L_overlay_start_0:
0x0: {  	s2 =	sld [smem:$0x3FD9]  }
0x1: {  	s3 =	sld [smem:$0x3FFE];
	_ =	sdelay $0x1  }
0x2: {  	s1 =	srdreg.scid  }
0x3: {  	s0 =	sand.u32 $0x1, s1  }
0x4: {  	s18 =	sshll.u32 s0, $0xA;
	s2 =	sadd.s32 s3, s2  }
0x5: {  	s2 =	sadd.s32 s2, s18  }
0x6: {  	[smem:$0x3FC6] =	sst s2  }
0x7: {  	_ = 	snop  }
0x8: {  	s2 =	sld [smem:$0x3FD0];
	(tm) =	ssettm $0x1  }
0x9: {  	s19 =	sld [smem:$0x3FFB];
	_ =	sdelay $0x3  }
0xa: {  	_ =	strace s19  }
0xb: {  	s3 =	sld [smem:$0x3FFC];
	_ =	sdelay $0x3  }
0xc: {  	_ =	strace s3  }
0xd: {  	s3 =	sld [smem:$0x3FFD];
	_ =	sdelay $0x3  }
0xe: {  	_ =	strace s3  }
0xf: {  	_ =	strace $0x8FFFFFFF  }
0x10: {  	s20 =	sld [smem:$0x3FDB];
	_ =	sdelay $0x1  }
0x11: {  	s4 =	simm.s32 $_scs_section_size  }
0x12: {  	s5 =	simm.s32 $_size__tile_overlayer_lowered;
	s6 =	simm.s32 $_tile_overlayer_lowered  }
0x13: {  	s23 =	simm.s32 $0x1BFF;
	s22 =	sshll.u32 s6, $0x1;
	s3 =	sadd.s32 s4, s20  }
0x14: {  	s7 =	simm.s32 $0x0;
	s21 =	sshll.u32 s5, $0x1;
	s5 =	sadd.s32 s22, s3  }
0x15: {  	[timem:s7], [sflag:s23] =	dma.local [hbm:s5], s21  }
0x16: {  	_ =	swait.ge [sflag:s23], s21  }
0x17: {  	s4 =	ssub.s32 $0x0, s21;
	[sflag:s23] =	ssyncset.done $0x0  }
0x18: {  	[sflag:s23] =	ssyncadd.s32 s4;
	_ =	sdelay $0x1  }
0x19: {  	s24 =	simm.s32 $0x1B8B  }
0x1a: {  	_ =	swait.ge [sflag:s24], $0x1  }
0x1b: {  	[sflag:s24] =	ssyncset.done $0x0  }
0x1c: {  	s26 =	simm.s32 $0x1B8E;
	s25 =	sld [smem:$0x3FFE];
	[sflag:s24] =	ssyncadd.s32 $0xFFFFFFFF  }
0x1d: {  	s27 =	simm.s32 $execute0_lowered;
	[smem:$0x3FD2] =	sst s26  }
0x1e: {  	s5 =	sshll.u32 s27, $0x1;
	_ =	strace $0x80000049;
	[dreg:$0x1] =	wrdreg $0xFFFFFFFF  }
0x1f: {  	s28 =	simm.s32 $_size_execute0_lowered;
	s3 =	sadd.s32 s3, s5;
	[dreg:$0x0] =	wrdreg $0x0  }
0x20: {  	s5 =	sshll.u32 s28, $0x1;
	[dreg:$0x2] =	wrdreg s3  }
0x21: {  	[dreg:$0x3] =	wrdreg s5  }
0x22: {  	[dreg:$0x4] =	wrdreg $0xC0  }
0x23: {  	_ =	task [dreg:s7], $0x5FFFF  }
0x24: {  	[dreg:$0x1] =	wrdreg $0xFFFFFFFF  }
0x25: {  	[dreg:$0x0] =	wrdreg $0x60  }
0x26: {  	[dreg:$0x2] =	wrdreg s25  }
0x27: {  	[dreg:$0x3] =	wrdreg s2  }
0x28: {  	[dreg:$0x4] =	wrdreg $0x9  }
0x29: {  	_ =	task.clear_ibuf [dreg:s7], $0x5FFFF;
	_ =	strace $0x90000049  }
0x2a: {  	s29 =	simm.s32 $0x9;
	_ =	strace $0x8000004B  }
0x2b: {  	_ =	swait.ge [sflag:s29], $0x1  }
0x2c: {  	[sflag:s29] =	ssyncadd.s32 $0xFFFFFFFF  }
0x2d: {  	_ =	strace $0x9000004B  }
0x2e: {  	_ =	sfence  }
0x2f: {  	s30 =	sld [smem:$0x0];
	_ =	sdelay $0x2  }
0x30: {  	s31 =	sshll.u32 s1, $0xD;
	s1 =	sshrl.u32 s1, $0x2  }
0x31: {  	s3 =	sand.u32 $0x4000, s31;
	s1 =	sadd.s32 s1, s30  }
0x32: {  	s0 =	sor.u32 s3, s0;
	s1 =	sshll.u32 s1, $0x11  }
0x33: {  	s0 =	sor.u32 s1, s0  }
0x34: {  	s0 =	sadd.s32 $0x8F2B, s0  }
0x35: {  	[sflag:s0] =	ssyncadd.remote.s32 $0x1  }
0x36: {  	_ =	sfence.sel $0xFFFF  }
0x37: {  	[dreg:$0x0] =	wrdreg $0xFFFFFFFF;
	(pc) =	sbr.abs _section_cstart, $3  }
0x38: {  	[dreg:$0x1] =	wrdreg $0xFFFFFFFF  }
0x39: {  	_ =	task.clear_ibuf [dreg:s7], $0x2FFFF;
	_ =	strace $0x9FFFFFFF  }
0x3a: {  	(tm) =	ssettm $0x7FFFFFFF  }
0x3b: {  	_ =	shalt  }
tec
execute0_lowered:
.L_overlay_start_1:
0x0: {  	(tag) =	ssettag $0x1  }
0x1: {  	s0 =	srdreg.scid  }
0x2: {  	s1 =	sshll.u32 s0, $0x4  }
0x3: {  	s0 =	stileid.u32;
	s1 =	sand.u32 $0x10, s1  }
0x4: {  	s1 =	sor.u32 s0, s1  }
0x5: {  	s6 =	rddreg [dreg:$0x0];
	s4 =	simm.s32 $0x1;
	s2 =	sshll.u32 s1, $0x7  }
0x6: {  	s7 =	simm.s32 $0x2;
	s12 =	simm.s32 $0x0;
	s1 =	ssub.s32 $0x1000, s2  }
0x7: {  	s8 =	simm.s32 $0x8000;
	s13 =	simm.s32 $0x0;
	s3 =	sand.u32 $0xF80, s1  }
0x8: {  	s9 =	simm.s32 $0x0;
	s5 =	sshrl.u32 s1, $0xC;
	p0 =	sne.s32 s3, $0x0  }
.Ltmp0:
0x9: {  	s1 =	rddreg [dreg:$0x2];
	s4 =	simm.s32 @!p0 $0x0;
	(pc) =	sbr.rel .LBB1_1-.Ltmp0, $4  }
0xa: {  	s11 =	simm.s32 $0x0;
	s3 =	rddreg [dreg:$0x1];
	s5 =	sadd.s32 s4, s5  }
0xb: {  	_ =	strace $0x8000004A;
	s4 =	simm.s32 $0x1;
	s5 =	smul.u32 $0xC8, s5  }
0xc: {  	s6 =	sadd.s32 $0xA00, s6;
	s10 =	smov.u32 s2;
	[sflag:s4] =	ssyncpa.u1 $0x0  }
0xd: {  	p0 =	por $0x0, $0x0;
	[sflag:s7] =	ssyncpa.u1 $0x0;
	s7 =	sor.u32 $0x1, s5  }
.LBB1_4:
0xe: {  	s16 =	sshll.u32 s13, $0x3;
	s17 =	sand.u32 $0x78, s13  }
0xf: {  	s30 =	sand.u32 $0x7E00, s13;
	s12 =	sshll.u32 s12, $0xF;
	s16 =	sand.u32 $0xC00, s16  }
0x10: {  	[tilespmem:s15+$0x810 ss:$0x81] =	vst.msk $0xffff, v2;
	s31 =	sand.u32 $0x7, s13;
	s16 =	sor.u32 s17, s16;
	s17 =	sadd.s32 s3, s30  }
0x11: {  	[tilespmem:s15+$0x1020 ss:$0x81] =	vst.msk $0xffff, v0;
	s13 =	sshll.u32 s31, $0x12;
	s12 =	sadd.s32 s12, s17;
	s16 =	sshrl.u32 s16, $0x3  }
0x12: {  	[tilespmem:s15+$0x0 ss:$0x81] =	vst.msk $0xffff, v1;
	s13 =	sor.u32 $0x400, s13;
	s12 =	sadd.s32 s16, s12  }
0x13: {  	[hbm4b:s12+s13] =	stream.strided.scatter [tilespmem:s14], [sflag:$0x2], $0x2000, s8, s13, $0x20;
	[tilespmem:$0x8080] =	vst v63  }
.LBB1_5:
0x14: {  	s14 =	sadd.s32 $0x1, s9  }
0x15: {  	s12 =	sadd.s32 $0x1000, s10;
	s16 =	smov.u32 s10;
	p2 =	sgt.s32 s14, $0xC7  }
0x16: {  	s16 =	smov.u32 @p2 s12  }
0x17: {  	s14 =	simm.s32 @p2 $0x0;
	p2 =	sgt.s32 s16, $0xFFF  }
0x18: {  	s16 =	smov.u32 @p2 s2;
	p2 =	sne.s32 s11, s7  }
.Ltmp1:
0x19: {  	p1 =	slt.u32 s11, $0x2;
	(pc) =	sbr.rel @!p2 .LBB1_6-.Ltmp1, $4  }
0x1a: {  	s15 =	simm.s32 @!p1 $0x2  }
0x1b: {  	s13 =	smov.u32 s10;
	p0 =	por !p0, !p0;
	_ =	swait.ge @!p1 [sflag:s15], $0x2000  }
0x1c: {  	s12 =	smov.u32 s9;
	[sflag:s15] =	ssyncset.done @!p1 $0x0;
	s9 =	smov.u32 s14  }
0x1d: {  	s11 =	sadd.s32 $0x1, s11;
	[sflag:s15] =	ssyncadd.s32 @!p1 $0xFFFFE000;
	s10 =	smov.u32 s16  }
.LBB1_1:
0x1e: {  	p1 =	sge.u32 s11, s5  }
0x1f: {  	s14 =	sand.u32 @!p1 $0x1FFFFFF, s9  }
0x20: {  	s15 =	smulhi.u32 @!p1 $0x147AE15, s14;
	_ =	sdelay $0x1  }
0x21: {  	s15 =	smul.u32 @!p1 $0xC8, s15  }
0x22: {  	s16 =	sxor.u32 @!p1 $0xFFFFFFFF, s11;
	s17 =	smul.u32 @!p1 $0xC80, s10  }
0x23: {  	s31 =	sadd.s32 $0xFFFFFFFF, s11;
	s16 =	sshll.u32 @!p1 s16, $0xD;
	s14 =	ssub.s32 @!p1 s14, s15  }
0x24: {  	s15 =	sand.u32 @!p1 $0x2000, s16;
	s16 =	sadd.s32 @!p1 s6, s17;
	s14 =	sshll.u32 @!p1 s14, $0x4  }
0x25: {  	s17 =	simm.s32 @!p1 $0x6400;
	s14 =	sadd.s32 @!p1 s14, s16;
	s16 =	simm.s32 @!p1 $0x40  }
0x26: {  	[tilespmem:s15], [sflag:$0x1] =	stream.strided.gather @!p1 [hbm4b:s14+s16], $0x2000, s17, s16, $0x38;
	[tilespmem:$0x8080] =	vst v63  }
0x27: {  	p1 =	sge.u32 s31, s5  }
.Ltmp2:
0x28: {  	_ = 	snop;
	(pc) =	sbr.rel @p1 .LBB1_5-.Ltmp2, $1  }
0x29: {  	_ =	sdelay $0x3  }
0x2a: {  	s14 =	simm.s32 $0x1  }
0x2b: {  	_ =	swait.ge [sflag:s4], $0x2000;
	s14 =	simm.s32 @!p0 $0x0  }
0x2c: {  	[sflag:s4] =	ssyncset.done $0x0;
	s15 =	sshll.u32 s14, $0xD  }
0x2d: {  	[sflag:s4] =	ssyncadd.s32 $0xFFFFE000;
	s18 =	sor.u32 $0x20, s15  }
0x2e: {  	s14 =	smul.u32 $0x8100, s14;
	v3 =	vld [tilespmem:s18+$0x10]  }
0x2f: {  	s30 =	sand.u32 $0x1, s11;
	v2 =	vld [tilespmem:s18+$0xFFFFFFF0]  }
0x30: {  	s15 =	smul.u32 $0x8100, s30;
	s14 =	sshrl.u32 s14, $0x2;
	v0 =	vld [tilespmem:s18+$0x0]  }
0x31: {  	v1 =	vld [tilespmem:s18+$0xFFFFFFE0];
	s16 =	sor.u32 $0x4000, s14  }
0x32: {  	s31 =	sshrl.u32 s15, $0x2;
	s15 =	sadd.s32 $0x0, s16  }
0x33: {  	s17 =	simm.s32 $0x4;
	s18 =	sadd.s32 $0x40, s18;
	s14 =	sor.u32 $0x4000, s31;
	[tilespmem:s15+$0x1830 ss:$0x81] =	vst.msk $0xffff, v3  }
.LBB1_3:
0x34: {  	v3 =	vld [tilespmem:s18+$0x10];
	p1 =	sne.s32 s17, $0x1FC;
	[tilespmem:s15+$0x810 ss:$0x81] =	vst.msk $0xffff, v2;
	s19 =	smov.u32 s17;
	s17 =	sadd.s32 $0x4, s17  }
.Ltmp3:
0x35: {  	v2 =	vld [tilespmem:s18+$0xFFFFFFF0];
	[tilespmem:s15+$0x1020 ss:$0x81] =	vst.msk $0xffff, v0;
	(pc) =	sbr.rel @p1 .LBB1_3-.Ltmp3, $4  }
0x36: {  	v0 =	vld [tilespmem:s18+$0x0];
	[tilespmem:s15+$0x0 ss:$0x81] =	vst.msk $0xffff, v1  }
0x37: {  	s15 =	sshra.s32 s19, $0x2;
	v1 =	vld [tilespmem:s18+$0xFFFFFFE0]  }
0x38: {  	s15 =	sadd.s32 s15, s16  }
0x39: {  	s18 =	sadd.s32 $0x40, s18;
	[tilespmem:s15+$0x1830 ss:$0x81] =	vst.msk $0xffff, v3  }
.Ltmp4:
0x3a: {  	_ = 	snop;
	(pc) =	sbr.rel .LBB1_4-.Ltmp4, $1  }
0x3b: {  	_ =	sdelay $0x3  }
.LBB1_6:
0x3c: {  	_ =	sfence.sel $0x180000  }
0x3d: {  	s2 =	simm.s32 $0x1;
	[bflag:$0x0] =	sbarrier.arrive $0xFFFF  }
0x3e: {  	s31 =	simm.s32 $0x2;
	[sflag:s2] =	ssyncpa.u1 $0x1  }
0x3f: {  	[sflag:s31] =	ssyncpa.u1 $0x1  }
0x40: {  	p0 =	sne.s32 s0, $0x0;
	_ =	strace $0x9000004A  }
0x41: {  	s0 =	sadd.s32 @!p0 $0x100000, s1;
	[bflag:$0x2] =	sbarrier.arrive $0xFFFF  }
0x42: {  	[sflag:s0] =	ssyncadd.tile.s32 @!p0 $0x1;
	_ =	shalt  }
.Lfunc_end1:
_tile_overlayer_lowered:
.L_overlay_start_2:
0x43: {  	(tag) =	ssettag $0x2  }
0x44: {  	s0 =	rddreg [dreg:$0x0];
	s2 =	stileid.u32  }
0x45: {  	s1 =	rddreg [dreg:$0x1];
	p0 =	sne.s32 s2, $0x0  }
0x46: {  	s3 =	rddreg [dreg:$0x2];
	[bflag:$0x3] =	sbarrier.arrive $0xFFFF;
	s2 =	simm.s32 @!p0 $0x1C01  }
0x47: {  	[timem:s3], [sflag:s2] =	dma.local @!p0 [hbm:s0], s1  }
0x48: {  	s0 =	simm.s32 @!p0 $0x1  }
0x49: {  	_ =	swait.ge @!p0 [sflag:s0], s1  }
0x4a: {  	s1 =	ssub.s32 @!p0 $0x0, s1;
	[sflag:s0] =	ssyncset.done @!p0 $0x0  }
0x4b: {  	[sflag:s0] =	ssyncadd.s32 @!p0 s1  }
0x4c: {  	[bflag:$0x3] =	sbarrier.arrive $0xFFFF  }
0x4d: {  	_ =	shalt  }

</sc_bundles>
